<compile_context>
chip_gen: v7x
topology: tpu7x:2x2x1
jax: 0.10.2.dev20260603
libtpu: 0.0.44.dev20260713+nightly
codegen_flags: <defaults>
</compile_context>

<pallas_src>
import jax
import jax.numpy as jnp
from jax import lax
from jax.experimental import pallas as pl
from jax.experimental.pallas import tpu as pltpu
from jax.experimental.pallas import tpu_sc as plsc

N_NODES = 10000
N_EDGES = 320000
FEAT = 128

NC = 2
NS = 16
NW = NC * NS

CHUNK = 128
CHUNKS_PER_W = 80
N_PHASES = 2
CHUNKS_PER_PHASE = CHUNKS_PER_W // N_PHASES
EDGES_PER_W = CHUNK * CHUNKS_PER_W
E_PAD = NW * EDGES_PER_W
DUMMY_ROW = N_NODES

ACC_ROWS = 10240
ROWS_PER_TILE = ACC_ROWS // NS


def _sc_body(x_hbm, srcp_hbm, dstp_hbm, part_hbm,
             src_v, dst_v, bufs, acc_sh, gsem, ssem):
    cid = lax.axis_index("c")
    sid = lax.axis_index("s")
    wid = sid * NC + cid

    zv = jnp.zeros((16,), jnp.float32)

    def zrow(i, c):
        for jj in range(FEAT // 16):
            bufs[0, i, pl.ds(jj * 16, 16)] = zv
        return c

    lax.fori_loop(0, CHUNK, zrow, 0)
    for j in range(ROWS_PER_TILE // CHUNK):
        pltpu.sync_copy(bufs.at[0],
                        acc_sh.at[pl.ds(sid * ROWS_PER_TILE + j * CHUNK, CHUNK)])
    plsc.subcore_barrier()

    for ph in range(N_PHASES):
        pltpu.sync_copy(srcp_hbm.at[wid, ph], src_v)
        pltpu.sync_copy(dstp_hbm.at[wid, ph], dst_v)

        def step(t, c):
            j0 = 2 * t
            d0 = pltpu.async_copy(x_hbm.at[src_v.at[j0]], bufs.at[0], gsem)
            d1 = pltpu.async_copy(x_hbm.at[src_v.at[j0 + 1]], bufs.at[1], ssem)
            d0.wait()
            pltpu.sync_copy(bufs.at[0], acc_sh.at[dst_v.at[j0]], add=True)
            d1.wait()
            pltpu.sync_copy(bufs.at[1], acc_sh.at[dst_v.at[j0 + 1]], add=True)
            return c

        lax.fori_loop(0, CHUNKS_PER_PHASE // 2, step, 0)
    plsc.subcore_barrier()

    pltpu.sync_copy(acc_sh.at[pl.ds(sid * ROWS_PER_TILE, ROWS_PER_TILE)],
                    part_hbm.at[cid, pl.ds(sid * ROWS_PER_TILE, ROWS_PER_TILE)])


def _scatter_partials(x, srcp, dstp):
    mesh = plsc.VectorSubcoreMesh(core_axis_name="c", subcore_axis_name="s",
                                  num_cores=NC, num_subcores=NS)
    return pl.kernel(
        _sc_body,
        out_type=jax.ShapeDtypeStruct((NC, ACC_ROWS, FEAT), jnp.float32),
        mesh=mesh,
        scratch_types=[
            pltpu.VMEM((CHUNKS_PER_PHASE, CHUNK), jnp.int32),
            pltpu.VMEM((CHUNKS_PER_PHASE, CHUNK), jnp.int32),
            pltpu.VMEM((2, CHUNK, FEAT), jnp.float32),
            pltpu.VMEM_SHARED((ACC_ROWS, FEAT), jnp.float32),
            pltpu.SemaphoreType.DMA,
            pltpu.SemaphoreType.DMA,
        ],
    )(x, srcp, dstp)


def _tc_body(p_ref, x_ref, w_ref, l_ref, b_ref, o_ref):
    a = p_ref[0] + p_ref[1]
    o_ref[...] = (
        jnp.dot(a, w_ref[...], preferred_element_type=jnp.float32)
        + jnp.dot(x_ref[...], l_ref[...], preferred_element_type=jnp.float32)
        + b_ref[...]
    )


def _combine(partials, x, weight, loop_weight, h_bias):
    blk = 2000
    grid = N_NODES // blk
    return pl.pallas_call(
        _tc_body,
        grid=(grid,),
        in_specs=[
            pl.BlockSpec((NC, blk, FEAT), lambda i: (0, i, 0)),
            pl.BlockSpec((blk, FEAT), lambda i: (i, 0)),
            pl.BlockSpec((FEAT, FEAT), lambda i: (0, 0)),
            pl.BlockSpec((FEAT, FEAT), lambda i: (0, 0)),
            pl.BlockSpec((1, FEAT), lambda i: (0, 0)),
        ],
        out_specs=pl.BlockSpec((blk, FEAT), lambda i: (i, 0)),
        out_shape=jax.ShapeDtypeStruct((N_NODES, FEAT), jnp.float32),
    )(partials, x, weight, loop_weight, h_bias.reshape(1, FEAT))


def kernel(x, edge_index, weight, h_bias, loop_weight):
    src = edge_index[0].astype(jnp.int32)
    dst = edge_index[1].astype(jnp.int32)
    pad = E_PAD - N_EDGES
    ar = jnp.arange(pad, dtype=jnp.int32)
    pad_src = ar % N_NODES
    pad_dst = DUMMY_ROW + 1 + ar % (ACC_ROWS - N_NODES - 1)
    srcp = jnp.concatenate([src, pad_src]).reshape(
        NW, N_PHASES, CHUNKS_PER_PHASE, CHUNK)
    dstp = jnp.concatenate([dst, pad_dst]).reshape(
        NW, N_PHASES, CHUNKS_PER_PHASE, CHUNK)
    partials = _scatter_partials(x, srcp, dstp)
    return _combine(partials, x, weight, loop_weight, h_bias)

# --- scband reference (transcript-rebuilt; emitter-appended) ---
"""Pipeline reference for scband-rel-graph-conv-58033598103604 (READ-ONLY COPY).

The authoritative reference and input builder live on the scoring server;
editing this copy changes nothing except your own understanding.
"""

import jax, jax.numpy as jnp
import numpy as np

N_NODES = 10000
N_EDGES = 320000
IN_FEAT = 128
OUT_FEAT = 128


def _xavier_uniform(key, shape, gain):
    fan_in, fan_out = shape[0], shape[1]
    a = gain * np.sqrt(6.0 / (fan_in + fan_out))
    return jax.random.uniform(key, shape, dtype=jnp.float32, minval=-a, maxval=a)


def setup_inputs(seed: int = 0) -> dict:
    key = jax.random.key(seed)
    k_x, k_e, k_w, k_lw = jax.random.split(key, 4)
    x = jax.random.normal(k_x, (N_NODES, IN_FEAT), dtype=jnp.float32)
    edge_index = jax.random.randint(k_e, (2, N_EDGES), 0, N_NODES, dtype=jnp.int64)
    gain = np.sqrt(2.0)  # calculate_gain('relu')
    weight = _xavier_uniform(k_w, (IN_FEAT, OUT_FEAT), gain)
    loop_weight = _xavier_uniform(k_lw, (IN_FEAT, OUT_FEAT), gain)
    h_bias = jnp.zeros((OUT_FEAT,), dtype=jnp.float32)
    return {"x": x, "edge_index": edge_index, "weight": weight, "h_bias": h_bias, "loop_weight": loop_weight}


def reference(x, edge_index, weight, h_bias, loop_weight):
    # RelGraphConv forward with norm='none', bias=True, self_loop=True,
    # activation=None, layer_norm=False, dropout=0.0 (eval -> identity).
    src = edge_index[0]
    dst = edge_index[1]
    # message: m = x[src] @ W  (gather source features, then matmul)
    m = jnp.take(x, src, axis=0) @ weight
    # update_all with fn.sum: scatter-add messages by destination node
    h = jax.ops.segment_sum(m, dst, num_segments=N_NODES)
    # bias
    h = h + h_bias
    # self loop
    h = h + x @ loop_weight
    return h

if __name__ == "__main__":
    import jax
    _d = setup_inputs()
    print(jax.jit(kernel)(*tuple(_d.values())))

</pallas_src>

<mosaic_0001>
#map = affine_map<(d0, d1) -> (0, 0)>
#map1 = affine_map<(d0, d1) -> (0, 0, 0, 0)>
#map2 = affine_map<(d0, d1) -> (0, 0, 0)>
module attributes {stable_mosaic.version = 14 : i64} {
  func.func @_sc_body(%arg0: i32, %arg1: i32, %arg2: memref<10000x128xf32, #tpu.memory_space<hbm>>, %arg3: memref<32x2x40x128xi32, #tpu.memory_space<hbm>>, %arg4: memref<32x2x40x128xi32, #tpu.memory_space<hbm>>, %arg5: memref<2x10240x128xf32, #tpu.memory_space<hbm>>, %arg6: memref<40x128xi32, #tpu.memory_space<vmem>>, %arg7: memref<40x128xi32, #tpu.memory_space<vmem>>, %arg8: memref<2x128x128xf32, #tpu.memory_space<vmem>>, %arg9: memref<10240x128xf32, #tpu.memory_space<vmem_shared>>, %arg10: memref<!tpu.dma_semaphore, #tpu.memory_space<semaphore_mem>>, %arg11: memref<!tpu.dma_semaphore, #tpu.memory_space<semaphore_mem>>) attributes {dimension_semantics = [#tpu.dimension_semantics<core_parallel>, #tpu.dimension_semantics<subcore_parallel>], iteration_bounds = array<i64: 2, 16>, scalar_prefetch = 0 : i64, scratch_operands = 6 : i64, tpu.core_type = #tpu.core_type<sc_vector_subcore>, window_params = [{transform_indices = #map}, {transform_indices = #map1}, {transform_indices = #map1}, {transform_indices = #map2}]} {
    %mul3A = arith.constant 2 : i32
    %mul3A_0 = arith.muli %arg1, %mul3A : i32
    %add3A = arith.addi %mul3A_0, %arg0 : i32
    %broadcast_in_dim3A = arith.constant 0.000000e+00 : f32
    %broadcast_in_dim3A_1 = vector.broadcast %broadcast_in_dim3A : f32 to vector<16xf32>
    %scan3A = arith.constant 0 : i32
    %scan3A_2 = arith.constant 0 : i32
    %scan3A_3 = arith.constant 128 : i32
    %scan3A_4 = arith.addi %scan3A_2, %scan3A_3 : i32
    %scan3A_5 = arith.constant 1 : i32
    scf.for %scan3A_52 = %scan3A_2 to %scan3A_4 step %scan3A_5  : i32 {
      %swap3A = arith.constant 0 : i32
      %swap3A_53 = arith.index_cast %swap3A : i32 to index
      %swap3A_54 = arith.index_cast %scan3A_52 : i32 to index
      %swap3A_55 = arith.constant 0 : index
      %swap3A_56 = tpu.vector_load %arg8[%swap3A_53, %swap3A_54, %swap3A_55] {strides = array<i32>} : memref<2x128x128xf32, #tpu.memory_space<vmem>>, vector<1x1x16xf32>,
      %swap3A_57 = vector.shape_cast %swap3A_56 : vector<1x1x16xf32> to vector<16xf32>
      %swap3A_58 = vector.shape_cast %broadcast_in_dim3A_1 : vector<16xf32> to vector<1x1x16xf32>
      tpu.vector_store %arg8[%swap3A_53, %swap3A_54, %swap3A_55], %swap3A_58 {strides = array<i32>} : memref<2x128x128xf32, #tpu.memory_space<vmem>>, vector<1x1x16xf32>,
      %swap3A_59 = arith.constant 0 : i32
      %swap3A_60 = arith.index_cast %swap3A_59 : i32 to index
      %swap3A_61 = arith.index_cast %scan3A_52 : i32 to index
      %swap3A_62 = arith.constant 16 : index
      %swap3A_63 = tpu.vector_load %arg8[%swap3A_60, %swap3A_61, %swap3A_62] {strides = array<i32>} : memref<2x128x128xf32, #tpu.memory_space<vmem>>, vector<1x1x16xf32>,
      %swap3A_64 = vector.shape_cast %swap3A_63 : vector<1x1x16xf32> to vector<16xf32>
      %swap3A_65 = vector.shape_cast %broadcast_in_dim3A_1 : vector<16xf32> to vector<1x1x16xf32>
      tpu.vector_store %arg8[%swap3A_60, %swap3A_61, %swap3A_62], %swap3A_65 {strides = array<i32>} : memref<2x128x128xf32, #tpu.memory_space<vmem>>, vector<1x1x16xf32>,
      %swap3A_66 = arith.constant 0 : i32
      %swap3A_67 = arith.index_cast %swap3A_66 : i32 to index
      %swap3A_68 = arith.index_cast %scan3A_52 : i32 to index
      %swap3A_69 = arith.constant 32 : index
      %swap3A_70 = tpu.vector_load %arg8[%swap3A_67, %swap3A_68, %swap3A_69] {strides = array<i32>} : memref<2x128x128xf32, #tpu.memory_space<vmem>>, vector<1x1x16xf32>,
      %swap3A_71 = vector.shape_cast %swap3A_70 : vector<1x1x16xf32> to vector<16xf32>
      %swap3A_72 = vector.shape_cast %broadcast_in_dim3A_1 : vector<16xf32> to vector<1x1x16xf32>
      tpu.vector_store %arg8[%swap3A_67, %swap3A_68, %swap3A_69], %swap3A_72 {strides = array<i32>} : memref<2x128x128xf32, #tpu.memory_space<vmem>>, vector<1x1x16xf32>,
      %swap3A_73 = arith.constant 0 : i32
      %swap3A_74 = arith.index_cast %swap3A_73 : i32 to index
      %swap3A_75 = arith.index_cast %scan3A_52 : i32 to index
      %swap3A_76 = arith.constant 48 : index
      %swap3A_77 = tpu.vector_load %arg8[%swap3A_74, %swap3A_75, %swap3A_76] {strides = array<i32>} : memref<2x128x128xf32, #tpu.memory_space<vmem>>, vector<1x1x16xf32>,
      %swap3A_78 = vector.shape_cast %swap3A_77 : vector<1x1x16xf32> to vector<16xf32>
      %swap3A_79 = vector.shape_cast %broadcast_in_dim3A_1 : vector<16xf32> to vector<1x1x16xf32>
      tpu.vector_store %arg8[%swap3A_74, %swap3A_75, %swap3A_76], %swap3A_79 {strides = array<i32>} : memref<2x128x128xf32, #tpu.memory_space<vmem>>, vector<1x1x16xf32>,
      %swap3A_80 = arith.constant 0 : i32
      %swap3A_81 = arith.index_cast %swap3A_80 : i32 to index
      %swap3A_82 = arith.index_cast %scan3A_52 : i32 to index
      %swap3A_83 = arith.constant 64 : index
      %swap3A_84 = tpu.vector_load %arg8[%swap3A_81, %swap3A_82, %swap3A_83] {strides = array<i32>} : memref<2x128x128xf32, #tpu.memory_space<vmem>>, vector<1x1x16xf32>,
      %swap3A_85 = vector.shape_cast %swap3A_84 : vector<1x1x16xf32> to vector<16xf32>
      %swap3A_86 = vector.shape_cast %broadcast_in_dim3A_1 : vector<16xf32> to vector<1x1x16xf32>
      tpu.vector_store %arg8[%swap3A_81, %swap3A_82, %swap3A_83], %swap3A_86 {strides = array<i32>} : memref<2x128x128xf32, #tpu.memory_space<vmem>>, vector<1x1x16xf32>,
      %swap3A_87 = arith.constant 0 : i32
      %swap3A_88 = arith.index_cast %swap3A_87 : i32 to index
      %swap3A_89 = arith.index_cast %scan3A_52 : i32 to index
      %swap3A_90 = arith.constant 80 : index
      %swap3A_91 = tpu.vector_load %arg8[%swap3A_88, %swap3A_89, %swap3A_90] {strides = array<i32>} : memref<2x128x128xf32, #tpu.memory_space<vmem>>, vector<1x1x16xf32>,
      %swap3A_92 = vector.shape_cast %swap3A_91 : vector<1x1x16xf32> to vector<16xf32>
      %swap3A_93 = vector.shape_cast %broadcast_in_dim3A_1 : vector<16xf32> to vector<1x1x16xf32>
      tpu.vector_store %arg8[%swap3A_88, %swap3A_89, %swap3A_90], %swap3A_93 {strides = array<i32>} : memref<2x128x128xf32, #tpu.memory_space<vmem>>, vector<1x1x16xf32>,
      %swap3A_94 = arith.constant 0 : i32
      %swap3A_95 = arith.index_cast %swap3A_94 : i32 to index
      %swap3A_96 = arith.index_cast %scan3A_52 : i32 to index
      %swap3A_97 = arith.constant 96 : index
      %swap3A_98 = tpu.vector_load %arg8[%swap3A_95, %swap3A_96, %swap3A_97] {strides = array<i32>} : memref<2x128x128xf32, #tpu.memory_space<vmem>>, vector<1x1x16xf32>,
      %swap3A_99 = vector.shape_cast %swap3A_98 : vector<1x1x16xf32> to vector<16xf32>
      %swap3A_100 = vector.shape_cast %broadcast_in_dim3A_1 : vector<16xf32> to vector<1x1x16xf32>
      tpu.vector_store %arg8[%swap3A_95, %swap3A_96, %swap3A_97], %swap3A_100 {strides = array<i32>} : memref<2x128x128xf32, #tpu.memory_space<vmem>>, vector<1x1x16xf32>,
      %swap3A_101 = arith.constant 0 : i32
      %swap3A_102 = arith.index_cast %swap3A_101 : i32 to index
      %swap3A_103 = arith.index_cast %scan3A_52 : i32 to index
      %swap3A_104 = arith.constant 112 : index
      %swap3A_105 = tpu.vector_load %arg8[%swap3A_102, %swap3A_103, %swap3A_104] {strides = array<i32>} : memref<2x128x128xf32, #tpu.memory_space<vmem>>, vector<1x1x16xf32>,
      %swap3A_106 = vector.shape_cast %swap3A_105 : vector<1x1x16xf32> to vector<16xf32>
      %swap3A_107 = vector.shape_cast %broadcast_in_dim3A_1 : vector<16xf32> to vector<1x1x16xf32>
      tpu.vector_store %arg8[%swap3A_102, %swap3A_103, %swap3A_104], %swap3A_107 {strides = array<i32>} : memref<2x128x128xf32, #tpu.memory_space<vmem>>, vector<1x1x16xf32>,
    }
    %scan3A_6 = arith.constant 128 : i32
    %mul3A_7 = arith.constant 640 : i32
    %mul3A_8 = arith.muli %arg1, %mul3A_7 : i32
    %add3A_9 = arith.constant 0 : i32
    %add3A_10 = arith.addi %mul3A_8, %add3A_9 : i32
    %run_scoped3A = arith.constant 0 : i32
    "tpu.region"() ({
      %run_scoped3A_52 = tpu.sem_alloc : memref<!tpu.dma_semaphore, #tpu.memory_space<semaphore_mem>>
      %dma_start3A = arith.constant 0 : i32
      %dma_start3A_53 = arith.constant 0 : i32
      %dma_start3A_54 = tpu.memref_slice %arg8[%run_scoped3A, %dma_start3A, %dma_start3A_53] : memref<2x128x128xf32, #tpu.memory_space<vmem>> -> memref<1x128x128xf32, #tpu.memory_space<vmem>>
      %dma_start3A_55 = tpu.memref_squeeze %dma_start3A_54 : memref<1x128x128xf32, #tpu.memory_space<vmem>> -> memref<128x128xf32, #tpu.memory_space<vmem>>
      %dma_start3A_56 = arith.constant 0 : i32
      %dma_start3A_57 = tpu.memref_slice %arg9[%add3A_10, %dma_start3A_56] : memref<10240x128xf32, #tpu.memory_space<vmem_shared>> -> memref<128x128xf32, #tpu.memory_space<vmem_shared>>
      %dma_start3A_58 = arith.constant 0 : i32
      %dma_start3A_59 = tpu.memref_slice %arg9[%add3A_10, %dma_start3A_58] : memref<10240x128xf32, #tpu.memory_space<vmem_shared>> -> memref<128x128xf32, #tpu.memory_space<vmem_shared>>
      %dma_start3A_60 = arith.constant 0 : i32
      %dma_start3A_61 = arith.constant 0 : i32
      %dma_start3A_62 = tpu.memref_slice %arg8[%run_scoped3A, %dma_start3A_60, %dma_start3A_61] : memref<2x128x128xf32, #tpu.memory_space<vmem>> -> memref<1x128x128xf32, #tpu.memory_space<vmem>>
      %dma_start3A_63 = tpu.memref_squeeze %dma_start3A_62 : memref<1x128x128xf32, #tpu.memory_space<vmem>> -> memref<128x128xf32, #tpu.memory_space<vmem>>
      tpu.enqueue_dma source(%dma_start3A_63 : memref<128x128xf32, #tpu.memory_space<vmem>>) target(%dma_start3A_59 : memref<128x128xf32, #tpu.memory_space<vmem_shared>>) target_semaphore(%run_scoped3A_52 : memref<!tpu.dma_semaphore, #tpu.memory_space<semaphore_mem>>)
      %dma_wait3A = arith.constant 0 : i32
      %dma_wait3A_64 = arith.constant 0 : i32
      %dma_wait3A_65 = tpu.memref_slice %arg8[%run_scoped3A, %dma_wait3A, %dma_wait3A_64] : memref<2x128x128xf32, #tpu.memory_space<vmem>> -> memref<1x128x128xf32, #tpu.memory_space<vmem>>
      %dma_wait3A_66 = tpu.memref_squeeze %dma_wait3A_65 : memref<1x128x128xf32, #tpu.memory_space<vmem>> -> memref<128x128xf32, #tpu.memory_space<vmem>>
      %dma_wait3A_67 = arith.constant 0 : i32
      %dma_wait3A_68 = tpu.memref_slice %arg9[%add3A_10, %dma_wait3A_67] : memref<10240x128xf32, #tpu.memory_space<vmem_shared>> -> memref<128x128xf32, #tpu.memory_space<vmem_shared>>
      %dma_wait3A_69 = arith.constant 0 : i32
      %dma_wait3A_70 = tpu.memref_slice %arg9[%add3A_10, %dma_wait3A_69] : memref<10240x128xf32, #tpu.memory_space<vmem_shared>> -> memref<128x128xf32, #tpu.memory_space<vmem_shared>>
      %dma_wait3A_71 = arith.constant 0 : i32
      %dma_wait3A_72 = arith.constant 0 : i32
      %dma_wait3A_73 = tpu.memref_slice %arg8[%run_scoped3A, %dma_wait3A_71, %dma_wait3A_72] : memref<2x128x128xf32, #tpu.memory_space<vmem>> -> memref<1x128x128xf32, #tpu.memory_space<vmem>>
      %dma_wait3A_74 = tpu.memref_squeeze %dma_wait3A_73 : memref<1x128x128xf32, #tpu.memory_space<vmem>> -> memref<128x128xf32, #tpu.memory_space<vmem>>
      tpu.wait_dma2 semaphore(%run_scoped3A_52 : memref<!tpu.dma_semaphore, #tpu.memory_space<semaphore_mem>>) src(%dma_wait3A_74 : memref<128x128xf32, #tpu.memory_space<vmem>>) dst(%dma_wait3A_70 : memref<128x128xf32, #tpu.memory_space<vmem_shared>>)
      tpu.yield
    }) : () -> ()
    %mul3A_11 = arith.constant 640 : i32
    %mul3A_12 = arith.muli %arg1, %mul3A_11 : i32
    %add3A_13 = arith.constant 128 : i32
    %add3A_14 = arith.addi %mul3A_12, %add3A_13 : i32
    %run_scoped3A_15 = arith.constant 0 : i32
    "tpu.region"() ({
      %run_scoped3A_52 = tpu.sem_alloc : memref<!tpu.dma_semaphore, #tpu.memory_space<semaphore_mem>>
      %dma_start3A = arith.constant 0 : i32
      %dma_start3A_53 = arith.constant 0 : i32
      %dma_start3A_54 = tpu.memref_slice %arg8[%run_scoped3A_15, %dma_start3A, %dma_start3A_53] : memref<2x128x128xf32, #tpu.memory_space<vmem>> -> memref<1x128x128xf32, #tpu.memory_space<vmem>>
      %dma_start3A_55 = tpu.memref_squeeze %dma_start3A_54 : memref<1x128x128xf32, #tpu.memory_space<vmem>> -> memref<128x128xf32, #tpu.memory_space<vmem>>
      %dma_start3A_56 = arith.constant 0 : i32
      %dma_start3A_57 = tpu.memref_slice %arg9[%add3A_14, %dma_start3A_56] : memref<10240x128xf32, #tpu.memory_space<vmem_shared>> -> memref<128x128xf32, #tpu.memory_space<vmem_shared>>
      %dma_start3A_58 = arith.constant 0 : i32
      %dma_start3A_59 = tpu.memref_slice %arg9[%add3A_14, %dma_start3A_58] : memref<10240x128xf32, #tpu.memory_space<vmem_shared>> -> memref<128x128xf32, #tpu.memory_space<vmem_shared>>
      %dma_start3A_60 = arith.constant 0 : i32
      %dma_start3A_61 = arith.constant 0 : i32
      %dma_start3A_62 = tpu.memref_slice %arg8[%run_scoped3A_15, %dma_start3A_60, %dma_start3A_61] : memref<2x128x128xf32, #tpu.memory_space<vmem>> -> memref<1x128x128xf32, #tpu.memory_space<vmem>>
      %dma_start3A_63 = tpu.memref_squeeze %dma_start3A_62 : memref<1x128x128xf32, #tpu.memory_space<vmem>> -> memref<128x128xf32, #tpu.memory_space<vmem>>
      tpu.enqueue_dma source(%dma_start3A_63 : memref<128x128xf32, #tpu.memory_space<vmem>>) target(%dma_start3A_59 : memref<128x128xf32, #tpu.memory_space<vmem_shared>>) target_semaphore(%run_scoped3A_52 : memref<!tpu.dma_semaphore, #tpu.memory_space<semaphore_mem>>)
      %dma_wait3A = arith.constant 0 : i32
      %dma_wait3A_64 = arith.constant 0 : i32
      %dma_wait3A_65 = tpu.memref_slice %arg8[%run_scoped3A_15, %dma_wait3A, %dma_wait3A_64] : memref<2x128x128xf32, #tpu.memory_space<vmem>> -> memref<1x128x128xf32, #tpu.memory_space<vmem>>
      %dma_wait3A_66 = tpu.memref_squeeze %dma_wait3A_65 : memref<1x128x128xf32, #tpu.memory_space<vmem>> -> memref<128x128xf32, #tpu.memory_space<vmem>>
      %dma_wait3A_67 = arith.constant 0 : i32
      %dma_wait3A_68 = tpu.memref_slice %arg9[%add3A_14, %dma_wait3A_67] : memref<10240x128xf32, #tpu.memory_space<vmem_shared>> -> memref<128x128xf32, #tpu.memory_space<vmem_shared>>
      %dma_wait3A_69 = arith.constant 0 : i32
      %dma_wait3A_70 = tpu.memref_slice %arg9[%add3A_14, %dma_wait3A_69] : memref<10240x128xf32, #tpu.memory_space<vmem_shared>> -> memref<128x128xf32, #tpu.memory_space<vmem_shared>>
      %dma_wait3A_71 = arith.constant 0 : i32
      %dma_wait3A_72 = arith.constant 0 : i32
      %dma_wait3A_73 = tpu.memref_slice %arg8[%run_scoped3A_15, %dma_wait3A_71, %dma_wait3A_72] : memref<2x128x128xf32, #tpu.memory_space<vmem>> -> memref<1x128x128xf32, #tpu.memory_space<vmem>>
      %dma_wait3A_74 = tpu.memref_squeeze %dma_wait3A_73 : memref<1x128x128xf32, #tpu.memory_space<vmem>> -> memref<128x128xf32, #tpu.memory_space<vmem>>
      tpu.wait_dma2 semaphore(%run_scoped3A_52 : memref<!tpu.dma_semaphore, #tpu.memory_space<semaphore_mem>>) src(%dma_wait3A_74 : memref<128x128xf32, #tpu.memory_space<vmem>>) dst(%dma_wait3A_70 : memref<128x128xf32, #tpu.memory_space<vmem_shared>>)
      tpu.yield
    }) : () -> ()
    %mul3A_16 = arith.constant 640 : i32
    %mul3A_17 = arith.muli %arg1, %mul3A_16 : i32
    %add3A_18 = arith.constant 256 : i32
    %add3A_19 = arith.addi %mul3A_17, %add3A_18 : i32
    %run_scoped3A_20 = arith.constant 0 : i32
    "tpu.region"() ({
      %run_scoped3A_52 = tpu.sem_alloc : memref<!tpu.dma_semaphore, #tpu.memory_space<semaphore_mem>>
      %dma_start3A = arith.constant 0 : i32
      %dma_start3A_53 = arith.constant 0 : i32
      %dma_start3A_54 = tpu.memref_slice %arg8[%run_scoped3A_20, %dma_start3A, %dma_start3A_53] : memref<2x128x128xf32, #tpu.memory_space<vmem>> -> memref<1x128x128xf32, #tpu.memory_space<vmem>>
      %dma_start3A_55 = tpu.memref_squeeze %dma_start3A_54 : memref<1x128x128xf32, #tpu.memory_space<vmem>> -> memref<128x128xf32, #tpu.memory_space<vmem>>
      %dma_start3A_56 = arith.constant 0 : i32
      %dma_start3A_57 = tpu.memref_slice %arg9[%add3A_19, %dma_start3A_56] : memref<10240x128xf32, #tpu.memory_space<vmem_shared>> -> memref<128x128xf32, #tpu.memory_space<vmem_shared>>
      %dma_start3A_58 = arith.constant 0 : i32
      %dma_start3A_59 = tpu.memref_slice %arg9[%add3A_19, %dma_start3A_58] : memref<10240x128xf32, #tpu.memory_space<vmem_shared>> -> memref<128x128xf32, #tpu.memory_space<vmem_shared>>
      %dma_start3A_60 = arith.constant 0 : i32
      %dma_start3A_61 = arith.constant 0 : i32
      %dma_start3A_62 = tpu.memref_slice %arg8[%run_scoped3A_20, %dma_start3A_60, %dma_start3A_61] : memref<2x128x128xf32, #tpu.memory_space<vmem>> -> memref<1x128x128xf32, #tpu.memory_space<vmem>>
      %dma_start3A_63 = tpu.memref_squeeze %dma_start3A_62 : memref<1x128x128xf32, #tpu.memory_space<vmem>> -> memref<128x128xf32, #tpu.memory_space<vmem>>
      tpu.enqueue_dma source(%dma_start3A_63 : memref<128x128xf32, #tpu.memory_space<vmem>>) target(%dma_start3A_59 : memref<128x128xf32, #tpu.memory_space<vmem_shared>>) target_semaphore(%run_scoped3A_52 : memref<!tpu.dma_semaphore, #tpu.memory_space<semaphore_mem>>)
      %dma_wait3A = arith.constant 0 : i32
      %dma_wait3A_64 = arith.constant 0 : i32
      %dma_wait3A_65 = tpu.memref_slice %arg8[%run_scoped3A_20, %dma_wait3A, %dma_wait3A_64] : memref<2x128x128xf32, #tpu.memory_space<vmem>> -> memref<1x128x128xf32, #tpu.memory_space<vmem>>
      %dma_wait3A_66 = tpu.memref_squeeze %dma_wait3A_65 : memref<1x128x128xf32, #tpu.memory_space<vmem>> -> memref<128x128xf32, #tpu.memory_space<vmem>>
      %dma_wait3A_67 = arith.constant 0 : i32
      %dma_wait3A_68 = tpu.memref_slice %arg9[%add3A_19, %dma_wait3A_67] : memref<10240x128xf32, #tpu.memory_space<vmem_shared>> -> memref<128x128xf32, #tpu.memory_space<vmem_shared>>
      %dma_wait3A_69 = arith.constant 0 : i32
      %dma_wait3A_70 = tpu.memref_slice %arg9[%add3A_19, %dma_wait3A_69] : memref<10240x128xf32, #tpu.memory_space<vmem_shared>> -> memref<128x128xf32, #tpu.memory_space<vmem_shared>>
      %dma_wait3A_71 = arith.constant 0 : i32
      %dma_wait3A_72 = arith.constant 0 : i32
      %dma_wait3A_73 = tpu.memref_slice %arg8[%run_scoped3A_20, %dma_wait3A_71, %dma_wait3A_72] : memref<2x128x128xf32, #tpu.memory_space<vmem>> -> memref<1x128x128xf32, #tpu.memory_space<vmem>>
      %dma_wait3A_74 = tpu.memref_squeeze %dma_wait3A_73 : memref<1x128x128xf32, #tpu.memory_space<vmem>> -> memref<128x128xf32, #tpu.memory_space<vmem>>
      tpu.wait_dma2 semaphore(%run_scoped3A_52 : memref<!tpu.dma_semaphore, #tpu.memory_space<semaphore_mem>>) src(%dma_wait3A_74 : memref<128x128xf32, #tpu.memory_space<vmem>>) dst(%dma_wait3A_70 : memref<128x128xf32, #tpu.memory_space<vmem_shared>>)
      tpu.yield
    }) : () -> ()
    %mul3A_21 = arith.constant 640 : i32
    %mul3A_22 = arith.muli %arg1, %mul3A_21 : i32
    %add3A_23 = arith.constant 384 : i32
    %add3A_24 = arith.addi %mul3A_22, %add3A_23 : i32
    %run_scoped3A_25 = arith.constant 0 : i32
    "tpu.region"() ({
      %run_scoped3A_52 = tpu.sem_alloc : memref<!tpu.dma_semaphore, #tpu.memory_space<semaphore_mem>>
      %dma_start3A = arith.constant 0 : i32
      %dma_start3A_53 = arith.constant 0 : i32
      %dma_start3A_54 = tpu.memref_slice %arg8[%run_scoped3A_25, %dma_start3A, %dma_start3A_53] : memref<2x128x128xf32, #tpu.memory_space<vmem>> -> memref<1x128x128xf32, #tpu.memory_space<vmem>>
      %dma_start3A_55 = tpu.memref_squeeze %dma_start3A_54 : memref<1x128x128xf32, #tpu.memory_space<vmem>> -> memref<128x128xf32, #tpu.memory_space<vmem>>
      %dma_start3A_56 = arith.constant 0 : i32
      %dma_start3A_57 = tpu.memref_slice %arg9[%add3A_24, %dma_start3A_56] : memref<10240x128xf32, #tpu.memory_space<vmem_shared>> -> memref<128x128xf32, #tpu.memory_space<vmem_shared>>
      %dma_start3A_58 = arith.constant 0 : i32
      %dma_start3A_59 = tpu.memref_slice %arg9[%add3A_24, %dma_start3A_58] : memref<10240x128xf32, #tpu.memory_space<vmem_shared>> -> memref<128x128xf32, #tpu.memory_space<vmem_shared>>
      %dma_start3A_60 = arith.constant 0 : i32
      %dma_start3A_61 = arith.constant 0 : i32
      %dma_start3A_62 = tpu.memref_slice %arg8[%run_scoped3A_25, %dma_start3A_60, %dma_start3A_61] : memref<2x128x128xf32, #tpu.memory_space<vmem>> -> memref<1x128x128xf32, #tpu.memory_space<vmem>>
      %dma_start3A_63 = tpu.memref_squeeze %dma_start3A_62 : memref<1x128x128xf32, #tpu.memory_space<vmem>> -> memref<128x128xf32, #tpu.memory_space<vmem>>
      tpu.enqueue_dma source(%dma_start3A_63 : memref<128x128xf32, #tpu.memory_space<vmem>>) target(%dma_start3A_59 : memref<128x128xf32, #tpu.memory_space<vmem_shared>>) target_semaphore(%run_scoped3A_52 : memref<!tpu.dma_semaphore, #tpu.memory_space<semaphore_mem>>)
      %dma_wait3A = arith.constant 0 : i32
      %dma_wait3A_64 = arith.constant 0 : i32
      %dma_wait3A_65 = tpu.memref_slice %arg8[%run_scoped3A_25, %dma_wait3A, %dma_wait3A_64] : memref<2x128x128xf32, #tpu.memory_space<vmem>> -> memref<1x128x128xf32, #tpu.memory_space<vmem>>
      %dma_wait3A_66 = tpu.memref_squeeze %dma_wait3A_65 : memref<1x128x128xf32, #tpu.memory_space<vmem>> -> memref<128x128xf32, #tpu.memory_space<vmem>>
      %dma_wait3A_67 = arith.constant 0 : i32
      %dma_wait3A_68 = tpu.memref_slice %arg9[%add3A_24, %dma_wait3A_67] : memref<10240x128xf32, #tpu.memory_space<vmem_shared>> -> memref<128x128xf32, #tpu.memory_space<vmem_shared>>
      %dma_wait3A_69 = arith.constant 0 : i32
      %dma_wait3A_70 = tpu.memref_slice %arg9[%add3A_24, %dma_wait3A_69] : memref<10240x128xf32, #tpu.memory_space<vmem_shared>> -> memref<128x128xf32, #tpu.memory_space<vmem_shared>>
      %dma_wait3A_71 = arith.constant 0 : i32
      %dma_wait3A_72 = arith.constant 0 : i32
      %dma_wait3A_73 = tpu.memref_slice %arg8[%run_scoped3A_25, %dma_wait3A_71, %dma_wait3A_72] : memref<2x128x128xf32, #tpu.memory_space<vmem>> -> memref<1x128x128xf32, #tpu.memory_space<vmem>>
      %dma_wait3A_74 = tpu.memref_squeeze %dma_wait3A_73 : memref<1x128x128xf32, #tpu.memory_space<vmem>> -> memref<128x128xf32, #tpu.memory_space<vmem>>
      tpu.wait_dma2 semaphore(%run_scoped3A_52 : memref<!tpu.dma_semaphore, #tpu.memory_space<semaphore_mem>>) src(%dma_wait3A_74 : memref<128x128xf32, #tpu.memory_space<vmem>>) dst(%dma_wait3A_70 : memref<128x128xf32, #tpu.memory_space<vmem_shared>>)
      tpu.yield
    }) : () -> ()
    %mul3A_26 = arith.constant 640 : i32
    %mul3A_27 = arith.muli %arg1, %mul3A_26 : i32
    %add3A_28 = arith.constant 512 : i32
    %add3A_29 = arith.addi %mul3A_27, %add3A_28 : i32
    %run_scoped3A_30 = arith.constant 0 : i32
    "tpu.region"() ({
      %run_scoped3A_52 = tpu.sem_alloc : memref<!tpu.dma_semaphore, #tpu.memory_space<semaphore_mem>>
      %dma_start3A = arith.constant 0 : i32
      %dma_start3A_53 = arith.constant 0 : i32
      %dma_start3A_54 = tpu.memref_slice %arg8[%run_scoped3A_30, %dma_start3A, %dma_start3A_53] : memref<2x128x128xf32, #tpu.memory_space<vmem>> -> memref<1x128x128xf32, #tpu.memory_space<vmem>>
      %dma_start3A_55 = tpu.memref_squeeze %dma_start3A_54 : memref<1x128x128xf32, #tpu.memory_space<vmem>> -> memref<128x128xf32, #tpu.memory_space<vmem>>
      %dma_start3A_56 = arith.constant 0 : i32
      %dma_start3A_57 = tpu.memref_slice %arg9[%add3A_29, %dma_start3A_56] : memref<10240x128xf32, #tpu.memory_space<vmem_shared>> -> memref<128x128xf32, #tpu.memory_space<vmem_shared>>
      %dma_start3A_58 = arith.constant 0 : i32
      %dma_start3A_59 = tpu.memref_slice %arg9[%add3A_29, %dma_start3A_58] : memref<10240x128xf32, #tpu.memory_space<vmem_shared>> -> memref<128x128xf32, #tpu.memory_space<vmem_shared>>
      %dma_start3A_60 = arith.constant 0 : i32
      %dma_start3A_61 = arith.constant 0 : i32
      %dma_start3A_62 = tpu.memref_slice %arg8[%run_scoped3A_30, %dma_start3A_60, %dma_start3A_61] : memref<2x128x128xf32, #tpu.memory_space<vmem>> -> memref<1x128x128xf32, #tpu.memory_space<vmem>>
      %dma_start3A_63 = tpu.memref_squeeze %dma_start3A_62 : memref<1x128x128xf32, #tpu.memory_space<vmem>> -> memref<128x128xf32, #tpu.memory_space<vmem>>
      tpu.enqueue_dma source(%dma_start3A_63 : memref<128x128xf32, #tpu.memory_space<vmem>>) target(%dma_start3A_59 : memref<128x128xf32, #tpu.memory_space<vmem_shared>>) target_semaphore(%run_scoped3A_52 : memref<!tpu.dma_semaphore, #tpu.memory_space<semaphore_mem>>)
      %dma_wait3A = arith.constant 0 : i32
      %dma_wait3A_64 = arith.constant 0 : i32
      %dma_wait3A_65 = tpu.memref_slice %arg8[%run_scoped3A_30, %dma_wait3A, %dma_wait3A_64] : memref<2x128x128xf32, #tpu.memory_space<vmem>> -> memref<1x128x128xf32, #tpu.memory_space<vmem>>
      %dma_wait3A_66 = tpu.memref_squeeze %dma_wait3A_65 : memref<1x128x128xf32, #tpu.memory_space<vmem>> -> memref<128x128xf32, #tpu.memory_space<vmem>>
      %dma_wait3A_67 = arith.constant 0 : i32
      %dma_wait3A_68 = tpu.memref_slice %arg9[%add3A_29, %dma_wait3A_67] : memref<10240x128xf32, #tpu.memory_space<vmem_shared>> -> memref<128x128xf32, #tpu.memory_space<vmem_shared>>
      %dma_wait3A_69 = arith.constant 0 : i32
      %dma_wait3A_70 = tpu.memref_slice %arg9[%add3A_29, %dma_wait3A_69] : memref<10240x128xf32, #tpu.memory_space<vmem_shared>> -> memref<128x128xf32, #tpu.memory_space<vmem_shared>>
      %dma_wait3A_71 = arith.constant 0 : i32
      %dma_wait3A_72 = arith.constant 0 : i32
      %dma_wait3A_73 = tpu.memref_slice %arg8[%run_scoped3A_30, %dma_wait3A_71, %dma_wait3A_72] : memref<2x128x128xf32, #tpu.memory_space<vmem>> -> memref<1x128x128xf32, #tpu.memory_space<vmem>>
      %dma_wait3A_74 = tpu.memref_squeeze %dma_wait3A_73 : memref<1x128x128xf32, #tpu.memory_space<vmem>> -> memref<128x128xf32, #tpu.memory_space<vmem>>
      tpu.wait_dma2 semaphore(%run_scoped3A_52 : memref<!tpu.dma_semaphore, #tpu.memory_space<semaphore_mem>>) src(%dma_wait3A_74 : memref<128x128xf32, #tpu.memory_space<vmem>>) dst(%dma_wait3A_70 : memref<128x128xf32, #tpu.memory_space<vmem_shared>>)
      tpu.yield
    }) : () -> ()
    %barrier3A = arith.constant 0 : index
    tpu.barrier barrier_id(%barrier3A)
    %run_scoped3A_31 = arith.constant 0 : i32
    "tpu.region"() ({
      %run_scoped3A_52 = tpu.sem_alloc : memref<!tpu.dma_semaphore, #tpu.memory_space<semaphore_mem>>
      %dma_start3A = arith.constant 0 : i32
      %dma_start3A_53 = arith.constant 0 : i32
      %dma_start3A_54 = tpu.memref_slice %arg3[%add3A, %run_scoped3A_31, %dma_start3A, %dma_start3A_53] : memref<32x2x40x128xi32, #tpu.memory_space<hbm>> -> memref<1x1x40x128xi32, #tpu.memory_space<hbm>>
      %dma_start3A_55 = tpu.memref_squeeze %dma_start3A_54 : memref<1x1x40x128xi32, #tpu.memory_space<hbm>> -> memref<40x128xi32, #tpu.memory_space<hbm>>
      %dma_start3A_56 = arith.constant 0 : i32
      %dma_start3A_57 = arith.constant 0 : i32
      %dma_start3A_58 = tpu.memref_slice %arg3[%add3A, %run_scoped3A_31, %dma_start3A_56, %dma_start3A_57] : memref<32x2x40x128xi32, #tpu.memory_space<hbm>> -> memref<1x1x40x128xi32, #tpu.memory_space<hbm>>
      %dma_start3A_59 = tpu.memref_squeeze %dma_start3A_58 : memref<1x1x40x128xi32, #tpu.memory_space<hbm>> -> memref<40x128xi32, #tpu.memory_space<hbm>>
      tpu.enqueue_dma source(%dma_start3A_59 : memref<40x128xi32, #tpu.memory_space<hbm>>) target(%arg6 : memref<40x128xi32, #tpu.memory_space<vmem>>) target_semaphore(%run_scoped3A_52 : memref<!tpu.dma_semaphore, #tpu.memory_space<semaphore_mem>>)
      %dma_wait3A = arith.constant 0 : i32
      %dma_wait3A_60 = arith.constant 0 : i32
      %dma_wait3A_61 = tpu.memref_slice %arg3[%add3A, %run_scoped3A_31, %dma_wait3A, %dma_wait3A_60] : memref<32x2x40x128xi32, #tpu.memory_space<hbm>> -> memref<1x1x40x128xi32, #tpu.memory_space<hbm>>
      %dma_wait3A_62 = tpu.memref_squeeze %dma_wait3A_61 : memref<1x1x40x128xi32, #tpu.memory_space<hbm>> -> memref<40x128xi32, #tpu.memory_space<hbm>>
      %dma_wait3A_63 = arith.constant 0 : i32
      %dma_wait3A_64 = arith.constant 0 : i32
      %dma_wait3A_65 = tpu.memref_slice %arg3[%add3A, %run_scoped3A_31, %dma_wait3A_63, %dma_wait3A_64] : memref<32x2x40x128xi32, #tpu.memory_space<hbm>> -> memref<1x1x40x128xi32, #tpu.memory_space<hbm>>
      %dma_wait3A_66 = tpu.memref_squeeze %dma_wait3A_65 : memref<1x1x40x128xi32, #tpu.memory_space<hbm>> -> memref<40x128xi32, #tpu.memory_space<hbm>>
      tpu.wait_dma2 semaphore(%run_scoped3A_52 : memref<!tpu.dma_semaphore, #tpu.memory_space<semaphore_mem>>) src(%dma_wait3A_66 : memref<40x128xi32, #tpu.memory_space<hbm>>) dst(%arg6 : memref<40x128xi32, #tpu.memory_space<vmem>>)
      tpu.yield
    }) : () -> ()
    %run_scoped3A_32 = arith.constant 0 : i32
    "tpu.region"() ({
      %run_scoped3A_52 = tpu.sem_alloc : memref<!tpu.dma_semaphore, #tpu.memory_space<semaphore_mem>>
      %dma_start3A = arith.constant 0 : i32
      %dma_start3A_53 = arith.constant 0 : i32
      %dma_start3A_54 = tpu.memref_slice %arg4[%add3A, %run_scoped3A_32, %dma_start3A, %dma_start3A_53] : memref<32x2x40x128xi32, #tpu.memory_space<hbm>> -> memref<1x1x40x128xi32, #tpu.memory_space<hbm>>
      %dma_start3A_55 = tpu.memref_squeeze %dma_start3A_54 : memref<1x1x40x128xi32, #tpu.memory_space<hbm>> -> memref<40x128xi32, #tpu.memory_space<hbm>>
      %dma_start3A_56 = arith.constant 0 : i32
      %dma_start3A_57 = arith.constant 0 : i32
      %dma_start3A_58 = tpu.memref_slice %arg4[%add3A, %run_scoped3A_32, %dma_start3A_56, %dma_start3A_57] : memref<32x2x40x128xi32, #tpu.memory_space<hbm>> -> memref<1x1x40x128xi32, #tpu.memory_space<hbm>>
      %dma_start3A_59 = tpu.memref_squeeze %dma_start3A_58 : memref<1x1x40x128xi32, #tpu.memory_space<hbm>> -> memref<40x128xi32, #tpu.memory_space<hbm>>
      tpu.enqueue_dma source(%dma_start3A_59 : memref<40x128xi32, #tpu.memory_space<hbm>>) target(%arg7 : memref<40x128xi32, #tpu.memory_space<vmem>>) target_semaphore(%run_scoped3A_52 : memref<!tpu.dma_semaphore, #tpu.memory_space<semaphore_mem>>)
      %dma_wait3A = arith.constant 0 : i32
      %dma_wait3A_60 = arith.constant 0 : i32
      %dma_wait3A_61 = tpu.memref_slice %arg4[%add3A, %run_scoped3A_32, %dma_wait3A, %dma_wait3A_60] : memref<32x2x40x128xi32, #tpu.memory_space<hbm>> -> memref<1x1x40x128xi32, #tpu.memory_space<hbm>>
      %dma_wait3A_62 = tpu.memref_squeeze %dma_wait3A_61 : memref<1x1x40x128xi32, #tpu.memory_space<hbm>> -> memref<40x128xi32, #tpu.memory_space<hbm>>
      %dma_wait3A_63 = arith.constant 0 : i32
      %dma_wait3A_64 = arith.constant 0 : i32
      %dma_wait3A_65 = tpu.memref_slice %arg4[%add3A, %run_scoped3A_32, %dma_wait3A_63, %dma_wait3A_64] : memref<32x2x40x128xi32, #tpu.memory_space<hbm>> -> memref<1x1x40x128xi32, #tpu.memory_space<hbm>>
      %dma_wait3A_66 = tpu.memref_squeeze %dma_wait3A_65 : memref<1x1x40x128xi32, #tpu.memory_space<hbm>> -> memref<40x128xi32, #tpu.memory_space<hbm>>
      tpu.wait_dma2 semaphore(%run_scoped3A_52 : memref<!tpu.dma_semaphore, #tpu.memory_space<semaphore_mem>>) src(%dma_wait3A_66 : memref<40x128xi32, #tpu.memory_space<hbm>>) dst(%arg7 : memref<40x128xi32, #tpu.memory_space<vmem>>)
      tpu.yield
    }) : () -> ()
    %scan3A_33 = arith.constant 0 : i32
    %scan3A_34 = arith.constant 0 : i32
    %scan3A_35 = arith.constant 20 : i32
    %scan3A_36 = arith.addi %scan3A_34, %scan3A_35 : i32
    %scan3A_37 = arith.constant 1 : i32
    scf.for %scan3A_52 = %scan3A_34 to %scan3A_36 step %scan3A_37  : i32 {
      %mul3A_53 = arith.constant 2 : i32
      %mul3A_54 = arith.muli %mul3A_53, %scan3A_52 : i32
      %dma_start3A = arith.constant 0 : i32
      %dma_start3A_55 = arith.constant 0 : i32
      %dma_start3A_56 = arith.constant 0 : i32
      %dma_start3A_57 = tpu.memref_slice %arg8[%dma_start3A, %dma_start3A_55, %dma_start3A_56] : memref<2x128x128xf32, #tpu.memory_space<vmem>> -> memref<1x128x128xf32, #tpu.memory_space<vmem>>
      %dma_start3A_58 = tpu.memref_squeeze %dma_start3A_57 : memref<1x128x128xf32, #tpu.memory_space<vmem>> -> memref<128x128xf32, #tpu.memory_space<vmem>>
      %dma_start3A_59 = arith.constant 0 : i32
      %dma_start3A_60 = tpu.memref_slice %arg6[%mul3A_54, %dma_start3A_59] : memref<40x128xi32, #tpu.memory_space<vmem>> -> memref<1x128xi32, #tpu.memory_space<vmem>>
      %dma_start3A_61 = tpu.memref_squeeze %dma_start3A_60 : memref<1x128xi32, #tpu.memory_space<vmem>> -> memref<128xi32, #tpu.memory_space<vmem>>
      %dma_start3A_62 = arith.constant 0 : i32
      %dma_start3A_63 = arith.constant 0 : i32
      %dma_start3A_64 = tpu.memref_slice %arg2[%dma_start3A_62, %dma_start3A_63] : memref<10000x128xf32, #tpu.memory_space<hbm>> -> memref<10000x128xf32, #tpu.memory_space<hbm>>
      tpu.enqueue_indirect_dma source(%dma_start3A_64 : memref<10000x128xf32, #tpu.memory_space<hbm>>) target(%dma_start3A_58 : memref<128x128xf32, #tpu.memory_space<vmem>>) offsets(%dma_start3A_61 : memref<128xi32, #tpu.memory_space<vmem>>) semaphore(%arg10 : memref<!tpu.dma_semaphore, #tpu.memory_space<semaphore_mem>>)
      %add3A_65 = arith.constant 1 : i32
      %add3A_66 = arith.addi %mul3A_54, %add3A_65 : i32
      %dma_start3A_67 = arith.constant 1 : i32
      %dma_start3A_68 = arith.constant 0 : i32
      %dma_start3A_69 = arith.constant 0 : i32
      %dma_start3A_70 = tpu.memref_slice %arg8[%dma_start3A_67, %dma_start3A_68, %dma_start3A_69] : memref<2x128x128xf32, #tpu.memory_space<vmem>> -> memref<1x128x128xf32, #tpu.memory_space<vmem>>
      %dma_start3A_71 = tpu.memref_squeeze %dma_start3A_70 : memref<1x128x128xf32, #tpu.memory_space<vmem>> -> memref<128x128xf32, #tpu.memory_space<vmem>>
      %dma_start3A_72 = arith.constant 0 : i32
      %dma_start3A_73 = tpu.memref_slice %arg6[%add3A_66, %dma_start3A_72] : memref<40x128xi32, #tpu.memory_space<vmem>> -> memref<1x128xi32, #tpu.memory_space<vmem>>
      %dma_start3A_74 = tpu.memref_squeeze %dma_start3A_73 : memref<1x128xi32, #tpu.memory_space<vmem>> -> memref<128xi32, #tpu.memory_space<vmem>>
      %dma_start3A_75 = arith.constant 0 : i32
      %dma_start3A_76 = arith.constant 0 : i32
      %dma_start3A_77 = tpu.memref_slice %arg2[%dma_start3A_75, %dma_start3A_76] : memref<10000x128xf32, #tpu.memory_space<hbm>> -> memref<10000x128xf32, #tpu.memory_space<hbm>>
      tpu.enqueue_indirect_dma source(%dma_start3A_77 : memref<10000x128xf32, #tpu.memory_space<hbm>>) target(%dma_start3A_71 : memref<128x128xf32, #tpu.memory_space<vmem>>) offsets(%dma_start3A_74 : memref<128xi32, #tpu.memory_space<vmem>>) semaphore(%arg11 : memref<!tpu.dma_semaphore, #tpu.memory_space<semaphore_mem>>)
      %dma_wait3A = arith.constant 0 : i32
      %dma_wait3A_78 = arith.constant 0 : i32
      %dma_wait3A_79 = arith.constant 0 : i32
      %dma_wait3A_80 = tpu.memref_slice %arg8[%dma_wait3A, %dma_wait3A_78, %dma_wait3A_79] : memref<2x128x128xf32, #tpu.memory_space<vmem>> -> memref<1x128x128xf32, #tpu.memory_space<vmem>>
      %dma_wait3A_81 = tpu.memref_squeeze %dma_wait3A_80 : memref<1x128x128xf32, #tpu.memory_space<vmem>> -> memref<128x128xf32, #tpu.memory_space<vmem>>
      %dma_wait3A_82 = arith.constant 0 : i32
      %dma_wait3A_83 = tpu.memref_slice %arg6[%mul3A_54, %dma_wait3A_82] : memref<40x128xi32, #tpu.memory_space<vmem>> -> memref<1x128xi32, #tpu.memory_space<vmem>>
      %dma_wait3A_84 = tpu.memref_squeeze %dma_wait3A_83 : memref<1x128xi32, #tpu.memory_space<vmem>> -> memref<128xi32, #tpu.memory_space<vmem>>
      %dma_wait3A_85 = arith.constant 0 : i32
      %dma_wait3A_86 = arith.constant 0 : i32
      %dma_wait3A_87 = tpu.memref_slice %arg2[%dma_wait3A_85, %dma_wait3A_86] : memref<10000x128xf32, #tpu.memory_space<hbm>> -> memref<10000x128xf32, #tpu.memory_space<hbm>>
      tpu.wait_indirect_dma semaphore(%arg10 : memref<!tpu.dma_semaphore, #tpu.memory_space<semaphore_mem>>) src(%dma_wait3A_87 : memref<10000x128xf32, #tpu.memory_space<hbm>>) dst(%dma_wait3A_81 : memref<128x128xf32, #tpu.memory_space<vmem>>)
      %run_scoped3A_88 = arith.constant 0 : i32
      "tpu.region"() ({
        %run_scoped3A_103 = tpu.sem_alloc : memref<!tpu.dma_semaphore, #tpu.memory_space<semaphore_mem>>
        %dma_start3A_104 = arith.constant 0 : i32
        %dma_start3A_105 = arith.constant 0 : i32
        %dma_start3A_106 = tpu.memref_slice %arg8[%run_scoped3A_88, %dma_start3A_104, %dma_start3A_105] : memref<2x128x128xf32, #tpu.memory_space<vmem>> -> memref<1x128x128xf32, #tpu.memory_space<vmem>>
        %dma_start3A_107 = tpu.memref_squeeze %dma_start3A_106 : memref<1x128x128xf32, #tpu.memory_space<vmem>> -> memref<128x128xf32, #tpu.memory_space<vmem>>
        %dma_start3A_108 = arith.constant 0 : i32
        %dma_start3A_109 = tpu.memref_slice %arg7[%mul3A_54, %dma_start3A_108] : memref<40x128xi32, #tpu.memory_space<vmem>> -> memref<1x128xi32, #tpu.memory_space<vmem>>
        %dma_start3A_110 = tpu.memref_squeeze %dma_start3A_109 : memref<1x128xi32, #tpu.memory_space<vmem>> -> memref<128xi32, #tpu.memory_space<vmem>>
        %dma_start3A_111 = arith.constant 0 : i32
        %dma_start3A_112 = arith.constant 0 : i32
        %dma_start3A_113 = tpu.memref_slice %arg9[%dma_start3A_111, %dma_start3A_112] : memref<10240x128xf32, #tpu.memory_space<vmem_shared>> -> memref<10240x128xf32, #tpu.memory_space<vmem_shared>>
        tpu.enqueue_indirect_dma source(%dma_start3A_107 : memref<128x128xf32, #tpu.memory_space<vmem>>) target(%dma_start3A_113 : memref<10240x128xf32, #tpu.memory_space<vmem_shared>>) offsets(%dma_start3A_110 : memref<128xi32, #tpu.memory_space<vmem>>) semaphore(%run_scoped3A_103 : memref<!tpu.dma_semaphore, #tpu.memory_space<semaphore_mem>>) {add = true}
        %dma_wait3A_114 = arith.constant 0 : i32
        %dma_wait3A_115 = arith.constant 0 : i32
        %dma_wait3A_116 = tpu.memref_slice %arg8[%run_scoped3A_88, %dma_wait3A_114, %dma_wait3A_115] : memref<2x128x128xf32, #tpu.memory_space<vmem>> -> memref<1x128x128xf32, #tpu.memory_space<vmem>>
        %dma_wait3A_117 = tpu.memref_squeeze %dma_wait3A_116 : memref<1x128x128xf32, #tpu.memory_space<vmem>> -> memref<128x128xf32, #tpu.memory_space<vmem>>
        %dma_wait3A_118 = arith.constant 0 : i32
        %dma_wait3A_119 = tpu.memref_slice %arg7[%mul3A_54, %dma_wait3A_118] : memref<40x128xi32, #tpu.memory_space<vmem>> -> memref<1x128xi32, #tpu.memory_space<vmem>>
        %dma_wait3A_120 = tpu.memref_squeeze %dma_wait3A_119 : memref<1x128xi32, #tpu.memory_space<vmem>> -> memref<128xi32, #tpu.memory_space<vmem>>
        %dma_wait3A_121 = arith.constant 0 : i32
        %dma_wait3A_122 = arith.constant 0 : i32
        %dma_wait3A_123 = tpu.memref_slice %arg9[%dma_wait3A_121, %dma_wait3A_122] : memref<10240x128xf32, #tpu.memory_space<vmem_shared>> -> memref<10240x128xf32, #tpu.memory_space<vmem_shared>>
        tpu.wait_indirect_dma semaphore(%run_scoped3A_103 : memref<!tpu.dma_semaphore, #tpu.memory_space<semaphore_mem>>) src(%dma_wait3A_117 : memref<128x128xf32, #tpu.memory_space<vmem>>) dst(%dma_wait3A_123 : memref<10240x128xf32, #tpu.memory_space<vmem_shared>>)
        tpu.yield
      }) : () -> ()
      %dma_wait3A_89 = arith.constant 1 : i32
      %dma_wait3A_90 = arith.constant 0 : i32
      %dma_wait3A_91 = arith.constant 0 : i32
      %dma_wait3A_92 = tpu.memref_slice %arg8[%dma_wait3A_89, %dma_wait3A_90, %dma_wait3A_91] : memref<2x128x128xf32, #tpu.memory_space<vmem>> -> memref<1x128x128xf32, #tpu.memory_space<vmem>>
      %dma_wait3A_93 = tpu.memref_squeeze %dma_wait3A_92 : memref<1x128x128xf32, #tpu.memory_space<vmem>> -> memref<128x128xf32, #tpu.memory_space<vmem>>
      %dma_wait3A_94 = arith.constant 0 : i32
      %dma_wait3A_95 = tpu.memref_slice %arg6[%add3A_66, %dma_wait3A_94] : memref<40x128xi32, #tpu.memory_space<vmem>> -> memref<1x128xi32, #tpu.memory_space<vmem>>
      %dma_wait3A_96 = tpu.memref_squeeze %dma_wait3A_95 : memref<1x128xi32, #tpu.memory_space<vmem>> -> memref<128xi32, #tpu.memory_space<vmem>>
      %dma_wait3A_97 = arith.constant 0 : i32
      %dma_wait3A_98 = arith.constant 0 : i32
      %dma_wait3A_99 = tpu.memref_slice %arg2[%dma_wait3A_97, %dma_wait3A_98] : memref<10000x128xf32, #tpu.memory_space<hbm>> -> memref<10000x128xf32, #tpu.memory_space<hbm>>
      tpu.wait_indirect_dma semaphore(%arg11 : memref<!tpu.dma_semaphore, #tpu.memory_space<semaphore_mem>>) src(%dma_wait3A_99 : memref<10000x128xf32, #tpu.memory_space<hbm>>) dst(%dma_wait3A_93 : memref<128x128xf32, #tpu.memory_space<vmem>>)
      %add3A_100 = arith.constant 1 : i32
      %add3A_101 = arith.addi %mul3A_54, %add3A_100 : i32
      %run_scoped3A_102 = arith.constant 1 : i32
      "tpu.region"() ({
        %run_scoped3A_103 = tpu.sem_alloc : memref<!tpu.dma_semaphore, #tpu.memory_space<semaphore_mem>>
        %dma_start3A_104 = arith.constant 0 : i32
        %dma_start3A_105 = arith.constant 0 : i32
        %dma_start3A_106 = tpu.memref_slice %arg8[%run_scoped3A_102, %dma_start3A_104, %dma_start3A_105] : memref<2x128x128xf32, #tpu.memory_space<vmem>> -> memref<1x128x128xf32, #tpu.memory_space<vmem>>
        %dma_start3A_107 = tpu.memref_squeeze %dma_start3A_106 : memref<1x128x128xf32, #tpu.memory_space<vmem>> -> memref<128x128xf32, #tpu.memory_space<vmem>>
        %dma_start3A_108 = arith.constant 0 : i32
        %dma_start3A_109 = tpu.memref_slice %arg7[%add3A_101, %dma_start3A_108] : memref<40x128xi32, #tpu.memory_space<vmem>> -> memref<1x128xi32, #tpu.memory_space<vmem>>
        %dma_start3A_110 = tpu.memref_squeeze %dma_start3A_109 : memref<1x128xi32, #tpu.memory_space<vmem>> -> memref<128xi32, #tpu.memory_space<vmem>>
        %dma_start3A_111 = arith.constant 0 : i32
        %dma_start3A_112 = arith.constant 0 : i32
        %dma_start3A_113 = tpu.memref_slice %arg9[%dma_start3A_111, %dma_start3A_112] : memref<10240x128xf32, #tpu.memory_space<vmem_shared>> -> memref<10240x128xf32, #tpu.memory_space<vmem_shared>>
        tpu.enqueue_indirect_dma source(%dma_start3A_107 : memref<128x128xf32, #tpu.memory_space<vmem>>) target(%dma_start3A_113 : memref<10240x128xf32, #tpu.memory_space<vmem_shared>>) offsets(%dma_start3A_110 : memref<128xi32, #tpu.memory_space<vmem>>) semaphore(%run_scoped3A_103 : memref<!tpu.dma_semaphore, #tpu.memory_space<semaphore_mem>>) {add = true}
        %dma_wait3A_114 = arith.constant 0 : i32
        %dma_wait3A_115 = arith.constant 0 : i32
        %dma_wait3A_116 = tpu.memref_slice %arg8[%run_scoped3A_102, %dma_wait3A_114, %dma_wait3A_115] : memref<2x128x128xf32, #tpu.memory_space<vmem>> -> memref<1x128x128xf32, #tpu.memory_space<vmem>>
        %dma_wait3A_117 = tpu.memref_squeeze %dma_wait3A_116 : memref<1x128x128xf32, #tpu.memory_space<vmem>> -> memref<128x128xf32, #tpu.memory_space<vmem>>
        %dma_wait3A_118 = arith.constant 0 : i32
        %dma_wait3A_119 = tpu.memref_slice %arg7[%add3A_101, %dma_wait3A_118] : memref<40x128xi32, #tpu.memory_space<vmem>> -> memref<1x128xi32, #tpu.memory_space<vmem>>
        %dma_wait3A_120 = tpu.memref_squeeze %dma_wait3A_119 : memref<1x128xi32, #tpu.memory_space<vmem>> -> memref<128xi32, #tpu.memory_space<vmem>>
        %dma_wait3A_121 = arith.constant 0 : i32
        %dma_wait3A_122 = arith.constant 0 : i32
        %dma_wait3A_123 = tpu.memref_slice %arg9[%dma_wait3A_121, %dma_wait3A_122] : memref<10240x128xf32, #tpu.memory_space<vmem_shared>> -> memref<10240x128xf32, #tpu.memory_space<vmem_shared>>
        tpu.wait_indirect_dma semaphore(%run_scoped3A_103 : memref<!tpu.dma_semaphore, #tpu.memory_space<semaphore_mem>>) src(%dma_wait3A_117 : memref<128x128xf32, #tpu.memory_space<vmem>>) dst(%dma_wait3A_123 : memref<10240x128xf32, #tpu.memory_space<vmem_shared>>)
        tpu.yield
      }) : () -> ()
    }
    %scan3A_38 = arith.constant 20 : i32
    %run_scoped3A_39 = arith.constant 1 : i32
    "tpu.region"() ({
      %run_scoped3A_52 = tpu.sem_alloc : memref<!tpu.dma_semaphore, #tpu.memory_space<semaphore_mem>>
      %dma_start3A = arith.constant 0 : i32
      %dma_start3A_53 = arith.constant 0 : i32
      %dma_start3A_54 = tpu.memref_slice %arg3[%add3A, %run_scoped3A_39, %dma_start3A, %dma_start3A_53] : memref<32x2x40x128xi32, #tpu.memory_space<hbm>> -> memref<1x1x40x128xi32, #tpu.memory_space<hbm>>
      %dma_start3A_55 = tpu.memref_squeeze %dma_start3A_54 : memref<1x1x40x128xi32, #tpu.memory_space<hbm>> -> memref<40x128xi32, #tpu.memory_space<hbm>>
      %dma_start3A_56 = arith.constant 0 : i32
      %dma_start3A_57 = arith.constant 0 : i32
      %dma_start3A_58 = tpu.memref_slice %arg3[%add3A, %run_scoped3A_39, %dma_start3A_56, %dma_start3A_57] : memref<32x2x40x128xi32, #tpu.memory_space<hbm>> -> memref<1x1x40x128xi32, #tpu.memory_space<hbm>>
      %dma_start3A_59 = tpu.memref_squeeze %dma_start3A_58 : memref<1x1x40x128xi32, #tpu.memory_space<hbm>> -> memref<40x128xi32, #tpu.memory_space<hbm>>
      tpu.enqueue_dma source(%dma_start3A_59 : memref<40x128xi32, #tpu.memory_space<hbm>>) target(%arg6 : memref<40x128xi32, #tpu.memory_space<vmem>>) target_semaphore(%run_scoped3A_52 : memref<!tpu.dma_semaphore, #tpu.memory_space<semaphore_mem>>)
      %dma_wait3A = arith.constant 0 : i32
      %dma_wait3A_60 = arith.constant 0 : i32
      %dma_wait3A_61 = tpu.memref_slice %arg3[%add3A, %run_scoped3A_39, %dma_wait3A, %dma_wait3A_60] : memref<32x2x40x128xi32, #tpu.memory_space<hbm>> -> memref<1x1x40x128xi32, #tpu.memory_space<hbm>>
      %dma_wait3A_62 = tpu.memref_squeeze %dma_wait3A_61 : memref<1x1x40x128xi32, #tpu.memory_space<hbm>> -> memref<40x128xi32, #tpu.memory_space<hbm>>
      %dma_wait3A_63 = arith.constant 0 : i32
      %dma_wait3A_64 = arith.constant 0 : i32
      %dma_wait3A_65 = tpu.memref_slice %arg3[%add3A, %run_scoped3A_39, %dma_wait3A_63, %dma_wait3A_64] : memref<32x2x40x128xi32, #tpu.memory_space<hbm>> -> memref<1x1x40x128xi32, #tpu.memory_space<hbm>>
      %dma_wait3A_66 = tpu.memref_squeeze %dma_wait3A_65 : memref<1x1x40x128xi32, #tpu.memory_space<hbm>> -> memref<40x128xi32, #tpu.memory_space<hbm>>
      tpu.wait_dma2 semaphore(%run_scoped3A_52 : memref<!tpu.dma_semaphore, #tpu.memory_space<semaphore_mem>>) src(%dma_wait3A_66 : memref<40x128xi32, #tpu.memory_space<hbm>>) dst(%arg6 : memref<40x128xi32, #tpu.memory_space<vmem>>)
      tpu.yield
    }) : () -> ()
    %run_scoped3A_40 = arith.constant 1 : i32
    "tpu.region"() ({
      %run_scoped3A_52 = tpu.sem_alloc : memref<!tpu.dma_semaphore, #tpu.memory_space<semaphore_mem>>
      %dma_start3A = arith.constant 0 : i32
      %dma_start3A_53 = arith.constant 0 : i32
      %dma_start3A_54 = tpu.memref_slice %arg4[%add3A, %run_scoped3A_40, %dma_start3A, %dma_start3A_53] : memref<32x2x40x128xi32, #tpu.memory_space<hbm>> -> memref<1x1x40x128xi32, #tpu.memory_space<hbm>>
      %dma_start3A_55 = tpu.memref_squeeze %dma_start3A_54 : memref<1x1x40x128xi32, #tpu.memory_space<hbm>> -> memref<40x128xi32, #tpu.memory_space<hbm>>
      %dma_start3A_56 = arith.constant 0 : i32
      %dma_start3A_57 = arith.constant 0 : i32
      %dma_start3A_58 = tpu.memref_slice %arg4[%add3A, %run_scoped3A_40, %dma_start3A_56, %dma_start3A_57] : memref<32x2x40x128xi32, #tpu.memory_space<hbm>> -> memref<1x1x40x128xi32, #tpu.memory_space<hbm>>
      %dma_start3A_59 = tpu.memref_squeeze %dma_start3A_58 : memref<1x1x40x128xi32, #tpu.memory_space<hbm>> -> memref<40x128xi32, #tpu.memory_space<hbm>>
      tpu.enqueue_dma source(%dma_start3A_59 : memref<40x128xi32, #tpu.memory_space<hbm>>) target(%arg7 : memref<40x128xi32, #tpu.memory_space<vmem>>) target_semaphore(%run_scoped3A_52 : memref<!tpu.dma_semaphore, #tpu.memory_space<semaphore_mem>>)
      %dma_wait3A = arith.constant 0 : i32
      %dma_wait3A_60 = arith.constant 0 : i32
      %dma_wait3A_61 = tpu.memref_slice %arg4[%add3A, %run_scoped3A_40, %dma_wait3A, %dma_wait3A_60] : memref<32x2x40x128xi32, #tpu.memory_space<hbm>> -> memref<1x1x40x128xi32, #tpu.memory_space<hbm>>
      %dma_wait3A_62 = tpu.memref_squeeze %dma_wait3A_61 : memref<1x1x40x128xi32, #tpu.memory_space<hbm>> -> memref<40x128xi32, #tpu.memory_space<hbm>>
      %dma_wait3A_63 = arith.constant 0 : i32
      %dma_wait3A_64 = arith.constant 0 : i32
      %dma_wait3A_65 = tpu.memref_slice %arg4[%add3A, %run_scoped3A_40, %dma_wait3A_63, %dma_wait3A_64] : memref<32x2x40x128xi32, #tpu.memory_space<hbm>> -> memref<1x1x40x128xi32, #tpu.memory_space<hbm>>
      %dma_wait3A_66 = tpu.memref_squeeze %dma_wait3A_65 : memref<1x1x40x128xi32, #tpu.memory_space<hbm>> -> memref<40x128xi32, #tpu.memory_space<hbm>>
      tpu.wait_dma2 semaphore(%run_scoped3A_52 : memref<!tpu.dma_semaphore, #tpu.memory_space<semaphore_mem>>) src(%dma_wait3A_66 : memref<40x128xi32, #tpu.memory_space<hbm>>) dst(%arg7 : memref<40x128xi32, #tpu.memory_space<vmem>>)
      tpu.yield
    }) : () -> ()
    %scan3A_41 = arith.constant 0 : i32
    %scan3A_42 = arith.constant 0 : i32
    %scan3A_43 = arith.constant 20 : i32
    %scan3A_44 = arith.addi %scan3A_42, %scan3A_43 : i32
    %scan3A_45 = arith.constant 1 : i32
    scf.for %scan3A_52 = %scan3A_42 to %scan3A_44 step %scan3A_45  : i32 {
      %mul3A_53 = arith.constant 2 : i32
      %mul3A_54 = arith.muli %mul3A_53, %scan3A_52 : i32
      %dma_start3A = arith.constant 0 : i32
      %dma_start3A_55 = arith.constant 0 : i32
      %dma_start3A_56 = arith.constant 0 : i32
      %dma_start3A_57 = tpu.memref_slice %arg8[%dma_start3A, %dma_start3A_55, %dma_start3A_56] : memref<2x128x128xf32, #tpu.memory_space<vmem>> -> memref<1x128x128xf32, #tpu.memory_space<vmem>>
      %dma_start3A_58 = tpu.memref_squeeze %dma_start3A_57 : memref<1x128x128xf32, #tpu.memory_space<vmem>> -> memref<128x128xf32, #tpu.memory_space<vmem>>
      %dma_start3A_59 = arith.constant 0 : i32
      %dma_start3A_60 = tpu.memref_slice %arg6[%mul3A_54, %dma_start3A_59] : memref<40x128xi32, #tpu.memory_space<vmem>> -> memref<1x128xi32, #tpu.memory_space<vmem>>
      %dma_start3A_61 = tpu.memref_squeeze %dma_start3A_60 : memref<1x128xi32, #tpu.memory_space<vmem>> -> memref<128xi32, #tpu.memory_space<vmem>>
      %dma_start3A_62 = arith.constant 0 : i32
      %dma_start3A_63 = arith.constant 0 : i32
      %dma_start3A_64 = tpu.memref_slice %arg2[%dma_start3A_62, %dma_start3A_63] : memref<10000x128xf32, #tpu.memory_space<hbm>> -> memref<10000x128xf32, #tpu.memory_space<hbm>>
      tpu.enqueue_indirect_dma source(%dma_start3A_64 : memref<10000x128xf32, #tpu.memory_space<hbm>>) target(%dma_start3A_58 : memref<128x128xf32, #tpu.memory_space<vmem>>) offsets(%dma_start3A_61 : memref<128xi32, #tpu.memory_space<vmem>>) semaphore(%arg10 : memref<!tpu.dma_semaphore, #tpu.memory_space<semaphore_mem>>)
      %add3A_65 = arith.constant 1 : i32
      %add3A_66 = arith.addi %mul3A_54, %add3A_65 : i32
      %dma_start3A_67 = arith.constant 1 : i32
      %dma_start3A_68 = arith.constant 0 : i32
      %dma_start3A_69 = arith.constant 0 : i32
      %dma_start3A_70 = tpu.memref_slice %arg8[%dma_start3A_67, %dma_start3A_68, %dma_start3A_69] : memref<2x128x128xf32, #tpu.memory_space<vmem>> -> memref<1x128x128xf32, #tpu.memory_space<vmem>>
      %dma_start3A_71 = tpu.memref_squeeze %dma_start3A_70 : memref<1x128x128xf32, #tpu.memory_space<vmem>> -> memref<128x128xf32, #tpu.memory_space<vmem>>
      %dma_start3A_72 = arith.constant 0 : i32
      %dma_start3A_73 = tpu.memref_slice %arg6[%add3A_66, %dma_start3A_72] : memref<40x128xi32, #tpu.memory_space<vmem>> -> memref<1x128xi32, #tpu.memory_space<vmem>>
      %dma_start3A_74 = tpu.memref_squeeze %dma_start3A_73 : memref<1x128xi32, #tpu.memory_space<vmem>> -> memref<128xi32, #tpu.memory_space<vmem>>
      %dma_start3A_75 = arith.constant 0 : i32
      %dma_start3A_76 = arith.constant 0 : i32
      %dma_start3A_77 = tpu.memref_slice %arg2[%dma_start3A_75, %dma_start3A_76] : memref<10000x128xf32, #tpu.memory_space<hbm>> -> memref<10000x128xf32, #tpu.memory_space<hbm>>
      tpu.enqueue_indirect_dma source(%dma_start3A_77 : memref<10000x128xf32, #tpu.memory_space<hbm>>) target(%dma_start3A_71 : memref<128x128xf32, #tpu.memory_space<vmem>>) offsets(%dma_start3A_74 : memref<128xi32, #tpu.memory_space<vmem>>) semaphore(%arg11 : memref<!tpu.dma_semaphore, #tpu.memory_space<semaphore_mem>>)
      %dma_wait3A = arith.constant 0 : i32
      %dma_wait3A_78 = arith.constant 0 : i32
      %dma_wait3A_79 = arith.constant 0 : i32
      %dma_wait3A_80 = tpu.memref_slice %arg8[%dma_wait3A, %dma_wait3A_78, %dma_wait3A_79] : memref<2x128x128xf32, #tpu.memory_space<vmem>> -> memref<1x128x128xf32, #tpu.memory_space<vmem>>
      %dma_wait3A_81 = tpu.memref_squeeze %dma_wait3A_80 : memref<1x128x128xf32, #tpu.memory_space<vmem>> -> memref<128x128xf32, #tpu.memory_space<vmem>>
      %dma_wait3A_82 = arith.constant 0 : i32
      %dma_wait3A_83 = tpu.memref_slice %arg6[%mul3A_54, %dma_wait3A_82] : memref<40x128xi32, #tpu.memory_space<vmem>> -> memref<1x128xi32, #tpu.memory_space<vmem>>
      %dma_wait3A_84 = tpu.memref_squeeze %dma_wait3A_83 : memref<1x128xi32, #tpu.memory_space<vmem>> -> memref<128xi32, #tpu.memory_space<vmem>>
      %dma_wait3A_85 = arith.constant 0 : i32
      %dma_wait3A_86 = arith.constant 0 : i32
      %dma_wait3A_87 = tpu.memref_slice %arg2[%dma_wait3A_85, %dma_wait3A_86] : memref<10000x128xf32, #tpu.memory_space<hbm>> -> memref<10000x128xf32, #tpu.memory_space<hbm>>
      tpu.wait_indirect_dma semaphore(%arg10 : memref<!tpu.dma_semaphore, #tpu.memory_space<semaphore_mem>>) src(%dma_wait3A_87 : memref<10000x128xf32, #tpu.memory_space<hbm>>) dst(%dma_wait3A_81 : memref<128x128xf32, #tpu.memory_space<vmem>>)
      %run_scoped3A_88 = arith.constant 0 : i32
      "tpu.region"() ({
        %run_scoped3A_103 = tpu.sem_alloc : memref<!tpu.dma_semaphore, #tpu.memory_space<semaphore_mem>>
        %dma_start3A_104 = arith.constant 0 : i32
        %dma_start3A_105 = arith.constant 0 : i32
        %dma_start3A_106 = tpu.memref_slice %arg8[%run_scoped3A_88, %dma_start3A_104, %dma_start3A_105] : memref<2x128x128xf32, #tpu.memory_space<vmem>> -> memref<1x128x128xf32, #tpu.memory_space<vmem>>
        %dma_start3A_107 = tpu.memref_squeeze %dma_start3A_106 : memref<1x128x128xf32, #tpu.memory_space<vmem>> -> memref<128x128xf32, #tpu.memory_space<vmem>>
        %dma_start3A_108 = arith.constant 0 : i32
        %dma_start3A_109 = tpu.memref_slice %arg7[%mul3A_54, %dma_start3A_108] : memref<40x128xi32, #tpu.memory_space<vmem>> -> memref<1x128xi32, #tpu.memory_space<vmem>>
        %dma_start3A_110 = tpu.memref_squeeze %dma_start3A_109 : memref<1x128xi32, #tpu.memory_space<vmem>> -> memref<128xi32, #tpu.memory_space<vmem>>
        %dma_start3A_111 = arith.constant 0 : i32
        %dma_start3A_112 = arith.constant 0 : i32
        %dma_start3A_113 = tpu.memref_slice %arg9[%dma_start3A_111, %dma_start3A_112] : memref<10240x128xf32, #tpu.memory_space<vmem_shared>> -> memref<10240x128xf32, #tpu.memory_space<vmem_shared>>
        tpu.enqueue_indirect_dma source(%dma_start3A_107 : memref<128x128xf32, #tpu.memory_space<vmem>>) target(%dma_start3A_113 : memref<10240x128xf32, #tpu.memory_space<vmem_shared>>) offsets(%dma_start3A_110 : memref<128xi32, #tpu.memory_space<vmem>>) semaphore(%run_scoped3A_103 : memref<!tpu.dma_semaphore, #tpu.memory_space<semaphore_mem>>) {add = true}
        %dma_wait3A_114 = arith.constant 0 : i32
        %dma_wait3A_115 = arith.constant 0 : i32
        %dma_wait3A_116 = tpu.memref_slice %arg8[%run_scoped3A_88, %dma_wait3A_114, %dma_wait3A_115] : memref<2x128x128xf32, #tpu.memory_space<vmem>> -> memref<1x128x128xf32, #tpu.memory_space<vmem>>
        %dma_wait3A_117 = tpu.memref_squeeze %dma_wait3A_116 : memref<1x128x128xf32, #tpu.memory_space<vmem>> -> memref<128x128xf32, #tpu.memory_space<vmem>>
        %dma_wait3A_118 = arith.constant 0 : i32
        %dma_wait3A_119 = tpu.memref_slice %arg7[%mul3A_54, %dma_wait3A_118] : memref<40x128xi32, #tpu.memory_space<vmem>> -> memref<1x128xi32, #tpu.memory_space<vmem>>
        %dma_wait3A_120 = tpu.memref_squeeze %dma_wait3A_119 : memref<1x128xi32, #tpu.memory_space<vmem>> -> memref<128xi32, #tpu.memory_space<vmem>>
        %dma_wait3A_121 = arith.constant 0 : i32
        %dma_wait3A_122 = arith.constant 0 : i32
        %dma_wait3A_123 = tpu.memref_slice %arg9[%dma_wait3A_121, %dma_wait3A_122] : memref<10240x128xf32, #tpu.memory_space<vmem_shared>> -> memref<10240x128xf32, #tpu.memory_space<vmem_shared>>
        tpu.wait_indirect_dma semaphore(%run_scoped3A_103 : memref<!tpu.dma_semaphore, #tpu.memory_space<semaphore_mem>>) src(%dma_wait3A_117 : memref<128x128xf32, #tpu.memory_space<vmem>>) dst(%dma_wait3A_123 : memref<10240x128xf32, #tpu.memory_space<vmem_shared>>)
        tpu.yield
      }) : () -> ()
      %dma_wait3A_89 = arith.constant 1 : i32
      %dma_wait3A_90 = arith.constant 0 : i32
      %dma_wait3A_91 = arith.constant 0 : i32
      %dma_wait3A_92 = tpu.memref_slice %arg8[%dma_wait3A_89, %dma_wait3A_90, %dma_wait3A_91] : memref<2x128x128xf32, #tpu.memory_space<vmem>> -> memref<1x128x128xf32, #tpu.memory_space<vmem>>
      %dma_wait3A_93 = tpu.memref_squeeze %dma_wait3A_92 : memref<1x128x128xf32, #tpu.memory_space<vmem>> -> memref<128x128xf32, #tpu.memory_space<vmem>>
      %dma_wait3A_94 = arith.constant 0 : i32
      %dma_wait3A_95 = tpu.memref_slice %arg6[%add3A_66, %dma_wait3A_94] : memref<40x128xi32, #tpu.memory_space<vmem>> -> memref<1x128xi32, #tpu.memory_space<vmem>>
      %dma_wait3A_96 = tpu.memref_squeeze %dma_wait3A_95 : memref<1x128xi32, #tpu.memory_space<vmem>> -> memref<128xi32, #tpu.memory_space<vmem>>
      %dma_wait3A_97 = arith.constant 0 : i32
      %dma_wait3A_98 = arith.constant 0 : i32
      %dma_wait3A_99 = tpu.memref_slice %arg2[%dma_wait3A_97, %dma_wait3A_98] : memref<10000x128xf32, #tpu.memory_space<hbm>> -> memref<10000x128xf32, #tpu.memory_space<hbm>>
      tpu.wait_indirect_dma semaphore(%arg11 : memref<!tpu.dma_semaphore, #tpu.memory_space<semaphore_mem>>) src(%dma_wait3A_99 : memref<10000x128xf32, #tpu.memory_space<hbm>>) dst(%dma_wait3A_93 : memref<128x128xf32, #tpu.memory_space<vmem>>)
      %add3A_100 = arith.constant 1 : i32
      %add3A_101 = arith.addi %mul3A_54, %add3A_100 : i32
      %run_scoped3A_102 = arith.constant 1 : i32
      "tpu.region"() ({
        %run_scoped3A_103 = tpu.sem_alloc : memref<!tpu.dma_semaphore, #tpu.memory_space<semaphore_mem>>
        %dma_start3A_104 = arith.constant 0 : i32
        %dma_start3A_105 = arith.constant 0 : i32
        %dma_start3A_106 = tpu.memref_slice %arg8[%run_scoped3A_102, %dma_start3A_104, %dma_start3A_105] : memref<2x128x128xf32, #tpu.memory_space<vmem>> -> memref<1x128x128xf32, #tpu.memory_space<vmem>>
        %dma_start3A_107 = tpu.memref_squeeze %dma_start3A_106 : memref<1x128x128xf32, #tpu.memory_space<vmem>> -> memref<128x128xf32, #tpu.memory_space<vmem>>
        %dma_start3A_108 = arith.constant 0 : i32
        %dma_start3A_109 = tpu.memref_slice %arg7[%add3A_101, %dma_start3A_108] : memref<40x128xi32, #tpu.memory_space<vmem>> -> memref<1x128xi32, #tpu.memory_space<vmem>>
        %dma_start3A_110 = tpu.memref_squeeze %dma_start3A_109 : memref<1x128xi32, #tpu.memory_space<vmem>> -> memref<128xi32, #tpu.memory_space<vmem>>
        %dma_start3A_111 = arith.constant 0 : i32
        %dma_start3A_112 = arith.constant 0 : i32
        %dma_start3A_113 = tpu.memref_slice %arg9[%dma_start3A_111, %dma_start3A_112] : memref<10240x128xf32, #tpu.memory_space<vmem_shared>> -> memref<10240x128xf32, #tpu.memory_space<vmem_shared>>
        tpu.enqueue_indirect_dma source(%dma_start3A_107 : memref<128x128xf32, #tpu.memory_space<vmem>>) target(%dma_start3A_113 : memref<10240x128xf32, #tpu.memory_space<vmem_shared>>) offsets(%dma_start3A_110 : memref<128xi32, #tpu.memory_space<vmem>>) semaphore(%run_scoped3A_103 : memref<!tpu.dma_semaphore, #tpu.memory_space<semaphore_mem>>) {add = true}
        %dma_wait3A_114 = arith.constant 0 : i32
        %dma_wait3A_115 = arith.constant 0 : i32
        %dma_wait3A_116 = tpu.memref_slice %arg8[%run_scoped3A_102, %dma_wait3A_114, %dma_wait3A_115] : memref<2x128x128xf32, #tpu.memory_space<vmem>> -> memref<1x128x128xf32, #tpu.memory_space<vmem>>
        %dma_wait3A_117 = tpu.memref_squeeze %dma_wait3A_116 : memref<1x128x128xf32, #tpu.memory_space<vmem>> -> memref<128x128xf32, #tpu.memory_space<vmem>>
        %dma_wait3A_118 = arith.constant 0 : i32
        %dma_wait3A_119 = tpu.memref_slice %arg7[%add3A_101, %dma_wait3A_118] : memref<40x128xi32, #tpu.memory_space<vmem>> -> memref<1x128xi32, #tpu.memory_space<vmem>>
        %dma_wait3A_120 = tpu.memref_squeeze %dma_wait3A_119 : memref<1x128xi32, #tpu.memory_space<vmem>> -> memref<128xi32, #tpu.memory_space<vmem>>
        %dma_wait3A_121 = arith.constant 0 : i32
        %dma_wait3A_122 = arith.constant 0 : i32
        %dma_wait3A_123 = tpu.memref_slice %arg9[%dma_wait3A_121, %dma_wait3A_122] : memref<10240x128xf32, #tpu.memory_space<vmem_shared>> -> memref<10240x128xf32, #tpu.memory_space<vmem_shared>>
        tpu.wait_indirect_dma semaphore(%run_scoped3A_103 : memref<!tpu.dma_semaphore, #tpu.memory_space<semaphore_mem>>) src(%dma_wait3A_117 : memref<128x128xf32, #tpu.memory_space<vmem>>) dst(%dma_wait3A_123 : memref<10240x128xf32, #tpu.memory_space<vmem_shared>>)
        tpu.yield
      }) : () -> ()
    }
    %scan3A_46 = arith.constant 20 : i32
    %barrier3A_47 = arith.constant 0 : index
    tpu.barrier barrier_id(%barrier3A_47)
    %mul3A_48 = arith.constant 640 : i32
    %mul3A_49 = arith.muli %arg1, %mul3A_48 : i32
    %mul3A_50 = arith.constant 640 : i32
    %mul3A_51 = arith.muli %arg1, %mul3A_50 : i32
    "tpu.region"() ({
      %run_scoped3A_52 = tpu.sem_alloc : memref<!tpu.dma_semaphore, #tpu.memory_space<semaphore_mem>>
      %dma_start3A = arith.constant 0 : i32
      %dma_start3A_53 = tpu.memref_slice %arg5[%arg0, %mul3A_51, %dma_start3A] : memref<2x10240x128xf32, #tpu.memory_space<hbm>> -> memref<1x640x128xf32, #tpu.memory_space<hbm>>
      %dma_start3A_54 = tpu.memref_squeeze %dma_start3A_53 : memref<1x640x128xf32, #tpu.memory_space<hbm>> -> memref<640x128xf32, #tpu.memory_space<hbm>>
      %dma_start3A_55 = arith.constant 0 : i32
      %dma_start3A_56 = tpu.memref_slice %arg9[%mul3A_49, %dma_start3A_55] : memref<10240x128xf32, #tpu.memory_space<vmem_shared>> -> memref<640x128xf32, #tpu.memory_space<vmem_shared>>
      tpu.enqueue_dma source(%dma_start3A_56 : memref<640x128xf32, #tpu.memory_space<vmem_shared>>) target(%dma_start3A_54 : memref<640x128xf32, #tpu.memory_space<hbm>>) target_semaphore(%run_scoped3A_52 : memref<!tpu.dma_semaphore, #tpu.memory_space<semaphore_mem>>)
      %dma_wait3A = arith.constant 0 : i32
      %dma_wait3A_57 = tpu.memref_slice %arg5[%arg0, %mul3A_51, %dma_wait3A] : memref<2x10240x128xf32, #tpu.memory_space<hbm>> -> memref<1x640x128xf32, #tpu.memory_space<hbm>>
      %dma_wait3A_58 = tpu.memref_squeeze %dma_wait3A_57 : memref<1x640x128xf32, #tpu.memory_space<hbm>> -> memref<640x128xf32, #tpu.memory_space<hbm>>
      %dma_wait3A_59 = arith.constant 0 : i32
      %dma_wait3A_60 = tpu.memref_slice %arg9[%mul3A_49, %dma_wait3A_59] : memref<10240x128xf32, #tpu.memory_space<vmem_shared>> -> memref<640x128xf32, #tpu.memory_space<vmem_shared>>
      tpu.wait_dma2 semaphore(%run_scoped3A_52 : memref<!tpu.dma_semaphore, #tpu.memory_space<semaphore_mem>>) src(%dma_wait3A_60 : memref<640x128xf32, #tpu.memory_space<vmem_shared>>) dst(%dma_wait3A_58 : memref<640x128xf32, #tpu.memory_space<hbm>>)
      tpu.yield
    }) : () -> ()
    return
  }
}

module attributes {stable_mosaic.version = 14 : i64} {
  func.func @_tc_body(%arg0: i32, %arg1: memref<2x2000x128xf32, #tpu.memory_space<vmem>>, %arg2: memref<2000x128xf32, #tpu.memory_space<vmem>>, %arg3: memref<128x128xf32, #tpu.memory_space<vmem>>, %arg4: memref<128x128xf32, #tpu.memory_space<vmem>>, %arg5: memref<1x128xf32, #tpu.memory_space<vmem>>, %arg6: memref<2000x128xf32, #tpu.memory_space<vmem>>) attributes {dimension_semantics = [#tpu.dimension_semantics<arbitrary>], iteration_bounds = array<i64: 5>, scalar_prefetch = 0 : i64, scratch_operands = 0 : i64, tpu.core_type = #tpu.core_type<tc>, window_params = [{transform_indices = @transform_0, window_bounds = array<i64: 2, 2000, 128>}, {transform_indices = @transform_1, window_bounds = array<i64: 2000, 128>}, {pipeline_mode = #tpu.pipeline_mode<synchronous>, transform_indices = @transform_2, window_bounds = array<i64: 128, 128>}, {pipeline_mode = #tpu.pipeline_mode<synchronous>, transform_indices = @transform_3, window_bounds = array<i64: 128, 128>}, {pipeline_mode = #tpu.pipeline_mode<synchronous>, transform_indices = @transform_4, window_bounds = array<i64: 1, 128>}, {transform_indices = @transform_5, window_bounds = array<i64: 2000, 128>}]} {
    %get3A = arith.constant 0 : index
    %get3A_0 = arith.constant 0 : index
    %get3A_1 = arith.constant 0 : index
    %get3A_2 = vector.load %arg1[%get3A, %get3A_0, %get3A_1] : memref<2x2000x128xf32, #tpu.memory_space<vmem>>, vector<1x2000x128xf32>
    %get3A_3 = vector.shape_cast %get3A_2 : vector<1x2000x128xf32> to vector<2000x128xf32>
    %get3A_4 = arith.constant 1 : index
    %get3A_5 = arith.constant 0 : index
    %get3A_6 = arith.constant 0 : index
    %get3A_7 = vector.load %arg1[%get3A_4, %get3A_5, %get3A_6] : memref<2x2000x128xf32, #tpu.memory_space<vmem>>, vector<1x2000x128xf32>
    %get3A_8 = vector.shape_cast %get3A_7 : vector<1x2000x128xf32> to vector<2000x128xf32>
    %add3A = arith.addf %get3A_3, %get3A_8 : vector<2000x128xf32>
    %get3A_9 = arith.constant 0 : index
    %get3A_10 = arith.constant 0 : index
    %get3A_11 = vector.load %arg3[%get3A_9, %get3A_10] : memref<128x128xf32, #tpu.memory_space<vmem>>, vector<128x128xf32>
    %dot_general3A = arith.constant dense<0.000000e+00> : vector<2000x128xf32>
    %dot_general3A_12 = tpu.matmul %add3A, %get3A_11, %dot_general3A {dimension_numbers = #tpu.dot_dimension_numbers<[1], [0], [0], [1], [0, 0, 1, 1], [], []>, transpose_lhs_hint = false} : vector<2000x128xf32>, vector<128x128xf32>, vector<2000x128xf32> -> vector<2000x128xf32>
    %get3A_13 = arith.constant 0 : index
    %get3A_14 = arith.constant 0 : index
    %get3A_15 = vector.load %arg2[%get3A_13, %get3A_14] : memref<2000x128xf32, #tpu.memory_space<vmem>>, vector<2000x128xf32>
    %get3A_16 = arith.constant 0 : index
    %get3A_17 = arith.constant 0 : index
    %get3A_18 = vector.load %arg4[%get3A_16, %get3A_17] : memref<128x128xf32, #tpu.memory_space<vmem>>, vector<128x128xf32>
    %dot_general3A_19 = arith.constant dense<0.000000e+00> : vector<2000x128xf32>
    %dot_general3A_20 = tpu.matmul %get3A_15, %get3A_18, %dot_general3A_19 {dimension_numbers = #tpu.dot_dimension_numbers<[1], [0], [0], [1], [0, 0, 1, 1], [], []>, transpose_lhs_hint = false} : vector<2000x128xf32>, vector<128x128xf32>, vector<2000x128xf32> -> vector<2000x128xf32>
    %add3A_21 = arith.addf %dot_general3A_12, %dot_general3A_20 : vector<2000x128xf32>
    %get3A_22 = arith.constant 0 : index
    %get3A_23 = arith.constant 0 : index
    %get3A_24 = vector.load %arg5[%get3A_22, %get3A_23] : memref<1x128xf32, #tpu.memory_space<vmem>>, vector<1x128xf32>
    %add3A_25 = vector.broadcast %get3A_24 : vector<1x128xf32> to vector<2000x128xf32>
    %add3A_26 = arith.addf %add3A_21, %add3A_25 : vector<2000x128xf32>
    %swap3A = arith.constant 0 : index
    %swap3A_27 = arith.constant 0 : index
    %swap3A_28 = vector.load %arg6[%swap3A, %swap3A_27] : memref<2000x128xf32, #tpu.memory_space<vmem>>, vector<2000x128xf32>
    tpu.vector_store %arg6[%swap3A, %swap3A_27], %add3A_26 {strides = array<i32>} : memref<2000x128xf32, #tpu.memory_space<vmem>>, vector<2000x128xf32>,
    return
  }
  func.func @transform_0(%arg0: i32) -> (i32, i32, i32) {
    %c0_i32 = arith.constant 0 : i32
    %c0_i32_0 = arith.constant 0 : i32
    %c0_i32_1 = arith.constant 0 : i32
    return %c0_i32, %arg0, %c0_i32_0 : i32, i32, i32
  }
  func.func @transform_1(%arg0: i32) -> (i32, i32) {
    %c0_i32 = arith.constant 0 : i32
    %c0_i32_0 = arith.constant 0 : i32
    return %arg0, %c0_i32 : i32, i32
  }
  func.func @transform_2(%arg0: i32) -> (i32, i32) {
    %c0_i32 = arith.constant 0 : i32
    %c0_i32_0 = arith.constant 0 : i32
    %c0_i32_1 = arith.constant 0 : i32
    return %c0_i32, %c0_i32_0 : i32, i32
  }
  func.func @transform_3(%arg0: i32) -> (i32, i32) {
    %c0_i32 = arith.constant 0 : i32
    %c0_i32_0 = arith.constant 0 : i32
    %c0_i32_1 = arith.constant 0 : i32
    return %c0_i32, %c0_i32_0 : i32, i32
  }
  func.func @transform_4(%arg0: i32) -> (i32, i32) {
    %c0_i32 = arith.constant 0 : i32
    %c0_i32_0 = arith.constant 0 : i32
    %c0_i32_1 = arith.constant 0 : i32
    return %c0_i32, %c0_i32_0 : i32, i32
  }
  func.func @transform_5(%arg0: i32) -> (i32, i32) {
    %c0_i32 = arith.constant 0 : i32
    %c0_i32_0 = arith.constant 0 : i32
    return %arg0, %c0_i32 : i32, i32
  }
}

</mosaic_0001>

<sc_bundles>
// kernel: kernel.4.cloned.1.call-start
scs
__scs_entry_jumppad:
0x0: {  	(pc) =	sbr.rel $0x88, $3  }
0x1: {  	(tag) =	ssettag $0x0;
	lr =	simm.s32 $0x1  }
0x2: {  	[smem:$0x3F9C] =	sst lr;
	_ =	strace $0xD0000000  }
0x3: {  	_ = 	snop  }
0x4: {  	_ = 	snop  }
0x5: {  	_ = 	snop  }
0x6: {  	_ = 	snop  }
0x7: {  	_ = 	snop  }
__scs_overlays_trampoline_lowered:
0x8: {  	[smem:$0x3FAB] =	sst s0  }
0x9: {  	[smem:$0x3FAC] =	sst s1  }
0xa: {  	[smem:$0x3FAD] =	sst s2  }
0xb: {  	[smem:$0x3FAE] =	sst s3  }
0xc: {  	[smem:$0x3FAF] =	sst s4  }
0xd: {  	[smem:$0x3FB0] =	sst s5  }
0xe: {  	[smem:$0x3FB1] =	sst s6  }
0xf: {  	[smem:$0x3FB2] =	sst s7  }
0x10: {  	[smem:$0x3FB3] =	sst s8  }
0x11: {  	[smem:$0x3FB4] =	sst s9;
	s0 =	simm.s32 @!p0 $0x0  }
0x12: {  	s1 =	sld [smem:$0x3F9A];
	s0 =	simm.s32 @p0 $0x1  }
0x13: {  	[smem:$0x3FB5] =	sst s0;
	s0 =	simm.s32 @!p1 $0x0  }
0x14: {  	s2 =	sld [smem:$0x3F99];
	s0 =	simm.s32 @p1 $0x1  }
0x15: {  	[smem:$0x3FB6] =	sst s0;
	s0 =	simm.s32 @!p2 $0x0  }
0x16: {  	s3 =	sld [smem:$0x3FDB];
	s0 =	simm.s32 @p2 $0x1  }
0x17: {  	s4 =	simm.s32 $0x1BF5;
	[smem:$0x3FB8] =	sst s0  }
0x18: {  	s0 =	sld [smem:$0x3F9B];
	_ =	swait.ge [sflag:s4], $0x0  }
0x19: {  	s7 =	sld [smem:$0x3F9C]  }
0x1a: {  	s8 =	sadd.s32 $0xFFFFE003, lr  }
0x1b: {  	s9 =	sadd.s32 $0xFFFFFEF7, lr;
	s5 =	simm.s32 $0xFFFFFFFF;
	p2 =	slt.u32 s8, $0xFFFFF086  }
0x1c: {  	p1 =	slt.u32 s9, $0xF7A;
	s5 =	simm.s32 @!p2 $0x0  }
0x1d: {  	s5 =	simm.s32 @p1 $0x1;
	p0 =	seq.s32 s7, s2  }
0x1e: {  	s7 =	smul.u32 @!p0 $0xF7A, s2;
	p2 =	seq.s32 @!p0 s5, $0x0  }
0x1f: {  	s9 =	smul.u32 $0xF7A, s1;
	s8 =	simm.s32 @!p0 $0x1BF5;
	p2 =	por !p2, p0  }
0x20: {  	[sflag:s8] =	ssyncset.s32 @!p0 $0xFFFFF086;
	s6 =	sadd.s32 @!p0 s3, s7;
	s7 =	simm.s32 @!p0 $0x108  }
0x21: {  	s3 =	sadd.s32 s3, s9;
	s6 =	sadd.s32 @!p0 $0x88, s6;
	s7 =	simm.s32 @p2 $0x1082  }
0x22: {  	[simem:s7], [sflag:s8] =	dma.local @!p0 [hbm:s6], $0xF7A  }
0x23: {  	s9 =	sor.u32 $0xD0000000, s2;
	s6 =	simm.s32 $0x108;
	_ =	swait.ge @!p0 [sflag:s8], $0x0  }
0x24: {  	s3 =	sadd.s32 $0x88, s3;
	s6 =	simm.s32 @!p1 $0x1082;
	[sflag:s4] =	ssyncset.s32 $0xFFFFF086  }
0x25: {  	[simem:s6], [sflag:s4] =	dma.local [hbm:s3], $0xF7A  }
0x26: {  	[smem:$0x3F9C] =	sst s1;
	(tag) =	ssettag s2;
	_ =	strace s9  }
0x27: {  	s1 =	sld [smem:$0x3FAC]  }
0x28: {  	s2 =	sld [smem:$0x3FAD]  }
0x29: {  	s4 =	sld [smem:$0x3FAF]  }
0x2a: {  	p0 =	seq.s32 s5, $0x0;
	s5 =	sld [smem:$0x3FB0]  }
0x2b: {  	s6 =	sld [smem:$0x3FB1]  }
0x2c: {  	s7 =	sld [smem:$0x3FB2]  }
0x2d: {  	s3 =	simm.s32 $0x108;
	s8 =	sld [smem:$0x3FB3]  }
0x2e: {  	s3 =	simm.s32 @!p0 $0x1082;
	s9 =	sld [smem:$0x3FB4]  }
0x2f: {  	lr =	sadd.s32 s0, s3;
	s0 =	sld [smem:$0x3FAB]  }
0x30: {  	s3 =	sld [smem:$0x3FAE]  }
0x31: {  	[smem:$0x3FB7] =	sst s10  }
0x32: {  	s10 =	sld [smem:$0x3FB5];
	_ =	sdelay $0x3  }
0x33: {  	p0 =	seq.s32 s10, $0x1;
	s10 =	sld [smem:$0x3FB7];
	_ =	sdelay $0x3  }
0x34: {  	[smem:$0x3FB7] =	sst s10  }
0x35: {  	s10 =	sld [smem:$0x3FB6];
	_ =	sdelay $0x3  }
0x36: {  	p1 =	seq.s32 s10, $0x1;
	s10 =	sld [smem:$0x3FB7];
	_ =	sdelay $0x3  }
0x37: {  	[smem:$0x3FB7] =	sst s10  }
0x38: {  	s10 =	sld [smem:$0x3FB8]  }
0x39: {  	_ = 	snop;
	(pc) =	sbr.ind lr, $3  }
0x3a: {  	_ = 	snop  }
0x3b: {  	_ = 	snop  }
0x3c: {  	p2 =	seq.s32 s10, $0x1;
	s10 =	sld [smem:$0x3FB7]  }
0x3d: {  	_ =	shalt  }
0x3e: {  	_ =	shalt  }
0x3f: {  	_ =	shalt  }
0x40: {  	_ =	shalt  }
0x41: {  	_ =	shalt  }
0x42: {  	_ =	shalt  }
0x43: {  	_ =	shalt  }
0x44: {  	_ =	shalt  }
0x45: {  	_ =	shalt  }
0x46: {  	_ =	shalt  }
0x47: {  	_ =	shalt  }
0x48: {  	_ =	shalt  }
0x49: {  	_ =	shalt  }
0x4a: {  	_ =	shalt  }
0x4b: {  	_ =	shalt  }
0x4c: {  	_ =	shalt  }
0x4d: {  	_ =	shalt  }
0x4e: {  	_ =	shalt  }
0x4f: {  	_ =	shalt  }
0x50: {  	_ =	shalt  }
0x51: {  	_ =	shalt  }
0x52: {  	_ =	shalt  }
0x53: {  	_ =	shalt  }
0x54: {  	_ =	shalt  }
0x55: {  	_ =	shalt  }
0x56: {  	_ =	shalt  }
0x57: {  	_ =	shalt  }
0x58: {  	_ =	shalt  }
0x59: {  	_ =	shalt  }
0x5a: {  	_ =	shalt  }
0x5b: {  	_ =	shalt  }
0x5c: {  	_ =	shalt  }
0x5d: {  	_ =	shalt  }
0x5e: {  	_ =	shalt  }
0x5f: {  	_ =	shalt  }
0x60: {  	_ =	shalt  }
0x61: {  	_ =	shalt  }
0x62: {  	_ =	shalt  }
0x63: {  	_ =	shalt  }
0x64: {  	_ =	shalt  }
0x65: {  	_ =	shalt  }
0x66: {  	_ =	shalt  }
0x67: {  	_ =	shalt  }
0x68: {  	_ =	shalt  }
0x69: {  	_ =	shalt  }
0x6a: {  	_ =	shalt  }
0x6b: {  	_ =	shalt  }
0x6c: {  	_ =	shalt  }
0x6d: {  	_ =	shalt  }
0x6e: {  	_ =	shalt  }
0x6f: {  	_ =	shalt  }
0x70: {  	_ =	shalt  }
0x71: {  	_ =	shalt  }
0x72: {  	_ =	shalt  }
0x73: {  	_ =	shalt  }
0x74: {  	_ =	shalt  }
0x75: {  	_ =	shalt  }
0x76: {  	_ =	shalt  }
0x77: {  	_ =	shalt  }
0x78: {  	_ =	shalt  }
0x79: {  	_ =	shalt  }
0x7a: {  	_ =	shalt  }
0x7b: {  	_ =	shalt  }
0x7c: {  	_ =	shalt  }
0x7d: {  	_ =	shalt  }
0x7e: {  	_ =	shalt  }
0x7f: {  	_ =	shalt  }
0x80: {  	_ =	shalt  }
0x81: {  	_ =	shalt  }
0x82: {  	_ =	shalt  }
0x83: {  	_ =	shalt  }
0x84: {  	_ =	shalt  }
0x85: {  	_ =	shalt  }
0x86: {  	_ =	shalt  }
0x87: {  	_ =	shalt  }
.Lfunc_end0:
.L_simem_size_0:
called_computation_lowered:
.L_overlay_start_0:
0x88: {  	s2 =	sld [smem:$0x3FD9]  }
0x89: {  	s3 =	sld [smem:$0x3FFE];
	_ =	sdelay $0x1  }
0x8a: {  	s1 =	srdreg.scid  }
0x8b: {  	s0 =	sand.u32 $0x1, s1  }
0x8c: {  	s17 =	sshll.u32 s0, $0xA;
	s2 =	sadd.s32 s3, s2  }
0x8d: {  	s2 =	sadd.s32 s2, s17  }
0x8e: {  	[smem:$0x3FC3] =	sst s2  }
0x8f: {  	_ = 	snop  }
0x90: {  	s2 =	sld [smem:$0x3FC9]  }
0x91: {  	s18 =	sld [smem:$0x3FD0];
	(tm) =	ssettm $0x1  }
0x92: {  	s4 =	sld [smem:$0x3FFB];
	_ =	sdelay $0x3  }
0x93: {  	_ =	strace s4  }
0x94: {  	s4 =	sld [smem:$0x3FFC];
	_ =	sdelay $0x3  }
0x95: {  	_ =	strace s4  }
0x96: {  	s4 =	sld [smem:$0x3FFD];
	_ =	sdelay $0x3  }
0x97: {  	_ =	strace s4  }
0x98: {  	_ =	strace $0x8FFFFFFF  }
0x99: {  	s19 =	sld [smem:$0x3FDB];
	_ =	sdelay $0x1  }
0x9a: {  	s5 =	simm.s32 $_scs_section_size  }
0x9b: {  	s6 =	simm.s32 $_size__tile_overlayer_lowered;
	s7 =	simm.s32 $_tile_overlayer_lowered  }
0x9c: {  	s22 =	simm.s32 $0x1BFF;
	s21 =	sshll.u32 s7, $0x1;
	s4 =	sadd.s32 s5, s19  }
0x9d: {  	s8 =	simm.s32 $0x0;
	s20 =	sshll.u32 s6, $0x1;
	s6 =	sadd.s32 s21, s4  }
0x9e: {  	[timem:s8], [sflag:s22] =	dma.local [hbm:s6], s20  }
0x9f: {  	_ =	swait.ge [sflag:s22], s20  }
0xa0: {  	s5 =	ssub.s32 $0x0, s20;
	[sflag:s22] =	ssyncset.done $0x0  }
0xa1: {  	[sflag:s22] =	ssyncadd.s32 s5;
	_ =	sdelay $0x1  }
0xa2: {  	s23 =	simm.s32 $0x1B8B  }
0xa3: {  	_ =	swait.ge [sflag:s23], $0x1  }
0xa4: {  	[sflag:s23] =	ssyncset.done $0x0  }
0xa5: {  	s25 =	simm.s32 $0x1B8E;
	s24 =	sld [smem:$0x3FFE];
	[sflag:s23] =	ssyncadd.s32 $0xFFFFFFFF  }
0xa6: {  	s26 =	simm.s32 $execute0_lowered;
	[smem:$0x3FD2] =	sst s25  }
0xa7: {  	s6 =	sshll.u32 s26, $0x1;
	_ =	strace $0x80000046;
	[dreg:$0x1] =	wrdreg $0xFFFFFFFF  }
0xa8: {  	s28 =	simm.s32 $_size_execute0_lowered;
	s4 =	sadd.s32 s4, s6;
	[dreg:$0x0] =	wrdreg $0x0  }
0xa9: {  	s6 =	sshll.u32 s28, $0x1;
	[dreg:$0x2] =	wrdreg s4  }
0xaa: {  	[dreg:$0x3] =	wrdreg s6  }
0xab: {  	[dreg:$0x4] =	wrdreg $0xC0  }
0xac: {  	_ =	task [dreg:s8], $0x5FFFF  }
0xad: {  	[dreg:$0x1] =	wrdreg $0xFFFFFFFF  }
0xae: {  	[dreg:$0x0] =	wrdreg $0x60  }
0xaf: {  	[dreg:$0x2] =	wrdreg s2  }
0xb0: {  	[dreg:$0x3] =	wrdreg s18  }
0xb1: {  	[dreg:$0x4] =	wrdreg s24  }
0xb2: {  	[dreg:$0x5] =	wrdreg $0xA8000  }
0xb3: {  	[dreg:$0x6] =	wrdreg $0x9  }
0xb4: {  	_ =	task.clear_ibuf [dreg:s8], $0x7FFFF;
	_ =	strace $0x90000046  }
0xb5: {  	s29 =	simm.s32 $0x9;
	_ =	strace $0x80000048  }
0xb6: {  	_ =	swait.ge [sflag:s29], $0x1  }
0xb7: {  	[sflag:s29] =	ssyncadd.s32 $0xFFFFFFFF  }
0xb8: {  	_ =	strace $0x90000048  }
0xb9: {  	_ =	sfence  }
0xba: {  	s30 =	sld [smem:$0x0];
	_ =	sdelay $0x2  }
0xbb: {  	s31 =	sshll.u32 s1, $0xD;
	s1 =	sshrl.u32 s1, $0x2  }
0xbc: {  	s3 =	sand.u32 $0x4000, s31;
	s1 =	sadd.s32 s1, s30  }
0xbd: {  	s0 =	sor.u32 s3, s0;
	s1 =	sshll.u32 s1, $0x11  }
0xbe: {  	s0 =	sor.u32 s1, s0  }
0xbf: {  	s0 =	sadd.s32 $0x8F2B, s0  }
0xc0: {  	[sflag:s0] =	ssyncadd.remote.s32 $0x1  }
0xc1: {  	_ =	sfence.sel $0xFFFF  }
0xc2: {  	[dreg:$0x0] =	wrdreg $0xFFFFFFFF;
	(pc) =	sbr.abs _section_cstart, $3  }
0xc3: {  	[dreg:$0x1] =	wrdreg $0xFFFFFFFF  }
0xc4: {  	_ =	task.clear_ibuf [dreg:s8], $0x2FFFF;
	_ =	strace $0x9FFFFFFF  }
0xc5: {  	(tm) =	ssettm $0x7FFFFFFF  }
tec
execute0_lowered:
.L_overlay_start_1:
0x0: {  	(tag) =	ssettag $0x1  }
0x1: {  	s0 =	rddreg [dreg:$0x0]  }
0x2: {  	s12 =	rddreg [dreg:$0x1]  }
0x3: {  	s6 =	rddreg [dreg:$0x2];
	s1 =	srdreg.scid  }
0x4: {  	s3 =	rddreg [dreg:$0x3];
	s2 =	stileid.u32  }
0x5: {  	s4 =	simm.s32 $0x0;
	s17 =	simm.s32 $0x3;
	s18 =	simm.s32 $0x1400  }
0x6: {  	s19 =	simm.s32 $0x80;
	s20 =	simm.s32 $0x6800;
	s21 =	simm.s32 $0x1  }
0x7: {  	s5 =	sand.u32 $0x1, s1;
	s1 =	rddreg [dreg:$0x4];
	s8 =	smul.u32 $0x14000, s2  }
0x8: {  	s22 =	simm.s32 $0x2;
	[smem:$0x7FF] =	sst s4;
	s29 =	smul.u32 $0x50000, s2  }
0x9: {  	s13 =	sadd.s32 $0xE00, s6;
	s9 =	sshll.u32 s2, $0x1;
	s7 =	smul.u32 $0x140000, s5  }
0xa: {  	_ =	strace $0x80000047;
	s10 =	ssub.s32 $0x2, s5;
	s9 =	sor.u32 s5, s9  }
0xb: {  	s30 =	sshrl.u32 s29, $0x2;
	s31 =	sshrl.u32 s10, $0x1;
	s9 =	smul.u32 $0x2800, s9  }
0xc: {  	s7 =	sadd.s32 s8, s7;
	s5 =	sadd.s32 s30, s3;
	s15 =	ssub.s32 s10, s31  }
0xd: {  	s7 =	sshrl.u32 s7, $0x3;
	s8 =	sadd.s32 $0xC000, s5;
	s11 =	sshrl.u32 s9, $0x3  }
0xe: {  	s9 =	sadd.s32 $0x10000, s5;
	s15 =	smax.u32 s15, $0x1;
	s14 =	sadd.s32 s7, s6  }
0xf: {  	s6 =	sadd.s32 $0x4000, s5;
	s7 =	sadd.s32 $0x8000, s5;
	s16 =	sadd.s32 $0x280, s11  }
0x10: {  	s10 =	sadd.s32 s12, s11;
	s11 =	sadd.s32 s13, s11;
	s12 =	sadd.s32 s12, s16  }
0x11: {  	v0 =	vimm.f32 $0.0e+00;
	s13 =	sadd.s32 s13, s16;
	s14 =	sadd.s32 $0xAE00, s14;
	s16 =	simm.s32 $0x2800  }
.LBB2_1:
0x12: {  	s23 =	simm.s32 $0x0;
	s24 =	simm.s32 $0x200  }
.LBB2_2:
0x13: {  	p0 =	sne.s32 s24, $0xFE00;
	[tilespmem:s23+$0x2870] =	vst v0  }
0x14: {  	[tilespmem:s23+$0x2800] =	vst v0  }
0x15: {  	[tilespmem:s23+$0x2810] =	vst v0  }
.Ltmp0:
0x16: {  	[tilespmem:s23+$0x2820] =	vst v0;
	(pc) =	sbr.rel @p0 .LBB2_2-.Ltmp0, $4  }
0x17: {  	[tilespmem:s23+$0x2830] =	vst v0  }
0x18: {  	[tilespmem:s23+$0x2840] =	vst v0  }
0x19: {  	[tilespmem:s23+$0x2850] =	vst v0  }
0x1a: {  	[tilespmem:s23+$0x2860] =	vst v0;
	s23 =	sshra.s32 s24, $0x2;
	s24 =	sadd.s32 $0x200, s24  }
0x1b: {  	[tilespmem:s23+$0x2870] =	vst v0  }
0x1c: {  	[tilespmem:s23+$0x2800] =	vst v0  }
0x1d: {  	[tilespmem:s23+$0x2810] =	vst v0  }
0x1e: {  	[tilespmem:s23+$0x2820] =	vst v0  }
0x1f: {  	[tilespmem:s23+$0x2830] =	vst v0  }
0x20: {  	[tilespmem:s23+$0x2840] =	vst v0  }
0x21: {  	[tilespmem:s23+$0x2850] =	vst v0  }
0x22: {  	[tilespmem:s23+$0x2860] =	vst v0  }
0x23: {  	[spmem:s5] =	stream.linear.scatter [tilespmem:s16], [sflag:$0x3], $0x4000, $0x38;
	[tilespmem:$0x1E800] =	vst v63  }
0x24: {  	_ =	swait.ge [sflag:s17], $0x4000  }
0x25: {  	[sflag:s17] =	ssyncset.done $0x0  }
0x26: {  	[sflag:s17] =	ssyncadd.s32 $0xFFFFC000  }
0x27: {  	[spmem:s6] =	stream.linear.scatter [tilespmem:s16], [sflag:$0x3], $0x4000, $0x38;
	[tilespmem:$0x1E800] =	vst v63  }
0x28: {  	_ =	swait.ge [sflag:s17], $0x4000  }
0x29: {  	[sflag:s17] =	ssyncset.done $0x0  }
0x2a: {  	[sflag:s17] =	ssyncadd.s32 $0xFFFFC000  }
0x2b: {  	[spmem:s7] =	stream.linear.scatter [tilespmem:s16], [sflag:$0x3], $0x4000, $0x38;
	[tilespmem:$0x1E800] =	vst v63  }
0x2c: {  	_ =	swait.ge [sflag:s17], $0x4000  }
0x2d: {  	[sflag:s17] =	ssyncset.done $0x0  }
0x2e: {  	[sflag:s17] =	ssyncadd.s32 $0xFFFFC000  }
0x2f: {  	[spmem:s8] =	stream.linear.scatter [tilespmem:s16], [sflag:$0x3], $0x4000, $0x38;
	[tilespmem:$0x1E800] =	vst v63  }
0x30: {  	_ =	swait.ge [sflag:s17], $0x4000  }
0x31: {  	[sflag:s17] =	ssyncset.done $0x0  }
0x32: {  	[sflag:s17] =	ssyncadd.s32 $0xFFFFC000  }
0x33: {  	[spmem:s9] =	stream.linear.scatter [tilespmem:s16], [sflag:$0x3], $0x4000, $0x38;
	[tilespmem:$0x1E800] =	vst v63  }
0x34: {  	_ =	swait.ge [sflag:s17], $0x4000  }
0x35: {  	[sflag:s17] =	ssyncset.done $0x0  }
0x36: {  	[sflag:s17] =	ssyncadd.s32 $0xFFFFC000  }
0x37: {  	s26 =	simm.s32 $0x0;
	[bflag:$0x0] =	sbarrier.arrive $0xFFFF  }
0x38: {  	[tilespmem:s26], [sflag:$0x3] =	stream.linear.gather [hbm4b:s10+s26], $0x1400, $0x38;
	[tilespmem:$0x1E800] =	vst v63  }
0x39: {  	_ =	swait.ge [sflag:s17], $0x1400  }
0x3a: {  	[sflag:s17] =	ssyncset.done $0x0  }
0x3b: {  	[sflag:s17] =	ssyncadd.s32 $0xFFFFEC00  }
0x3c: {  	[tilespmem:s18], [sflag:$0x3] =	stream.linear.gather [hbm4b:s11+s26], $0x1400, $0x38;
	[tilespmem:$0x1E800] =	vst v63  }
0x3d: {  	_ =	swait.ge [sflag:s17], $0x1400  }
0x3e: {  	[sflag:s17] =	ssyncset.done $0x0  }
0x3f: {  	s28 =	simm.s32 $0x0;
	[sflag:s17] =	ssyncadd.s32 $0xFFFFEC00  }
0x40: {  	[tilespmem:s16], [sflag:$0x1] =	stream.indirect.gather [hbm4b:s0+s19], $0x80, s28, s19, $0xb8;
	[tilespmem:$0x1E800] =	vst v63  }
0x41: {  	s29 =	simm.s32 $0x80  }
0x42: {  	[tilespmem:s20], [sflag:$0x2] =	stream.indirect.gather [hbm4b:s0+s19], $0x80, s29, s19, $0xb8;
	[tilespmem:$0x1E800] =	vst v63  }
0x43: {  	_ =	swait.ge [sflag:s21], $0x4000  }
0x44: {  	[sflag:s21] =	ssyncset.done $0x0  }
0x45: {  	s30 =	simm.s32 $0x1400;
	[sflag:s21] =	ssyncadd.s32 $0xFFFFC000  }
0x46: {  	[spmem:s3] =	stream.indirect.scatter.add.f32 [tilespmem:s16], [sflag:$0x3], $0x80, s30, s19, $0xb8;
	[tilespmem:$0x1E800] =	vst v63  }
0x47: {  	_ =	swait.ge [sflag:s17], $0x4000  }
0x48: {  	[sflag:s17] =	ssyncset.done $0x0  }
0x49: {  	[sflag:s17] =	ssyncadd.s32 $0xFFFFC000  }
0x4a: {  	_ =	swait.ge [sflag:s22], $0x4000  }
0x4b: {  	[sflag:s22] =	ssyncset.done $0x0  }
0x4c: {  	s31 =	simm.s32 $0x1480;
	[sflag:s22] =	ssyncadd.s32 $0xFFFFC000  }
0x4d: {  	[spmem:s3] =	stream.indirect.scatter.add.f32 [tilespmem:s20], [sflag:$0x3], $0x80, s31, s19, $0xb8;
	[tilespmem:$0x1E800] =	vst v63  }
0x4e: {  	_ =	swait.ge [sflag:s17], $0x4000  }
0x4f: {  	s23 =	simm.s32 $0x400;
	s24 =	simm.s32 $0x800;
	[sflag:s17] =	ssyncset.done $0x0  }
.LBB2_4:
0x50: {  	s25 =	sshra.s32 s23, $0x2  }
0x51: {  	[sflag:s17] =	ssyncadd.s32 $0xFFFFC000;
	s23 =	smov.u32 s24;
	s26 =	sadd.s32 $0x400, s24  }
0x52: {  	[tilespmem:s16], [sflag:$0x1] =	stream.indirect.gather [hbm4b:s0+s19], $0x80, s25, s19, $0xb8;
	[tilespmem:$0x1E800] =	vst v63  }
0x53: {  	p0 =	sne.s32 s24, $0x4C00;
	s24 =	sadd.s32 $0x80, s25  }
0x54: {  	[tilespmem:s20], [sflag:$0x2] =	stream.indirect.gather [hbm4b:s0+s19], $0x80, s24, s19, $0xb8;
	[tilespmem:$0x1E800] =	vst v63  }
0x55: {  	_ =	swait.ge [sflag:s21], $0x4000  }
0x56: {  	[sflag:s21] =	ssyncset.done $0x0  }
0x57: {  	s24 =	sadd.s32 $0x1400, s25;
	[sflag:s21] =	ssyncadd.s32 $0xFFFFC000  }
0x58: {  	[spmem:s3] =	stream.indirect.scatter.add.f32 [tilespmem:s16], [sflag:$0x3], $0x80, s24, s19, $0xb8;
	[tilespmem:$0x1E800] =	vst v63  }
0x59: {  	_ =	swait.ge [sflag:s17], $0x4000  }
0x5a: {  	[sflag:s17] =	ssyncset.done $0x0  }
0x5b: {  	[sflag:s17] =	ssyncadd.s32 $0xFFFFC000  }
0x5c: {  	_ =	swait.ge [sflag:s22], $0x4000  }
.Ltmp1:
0x5d: {  	[sflag:s22] =	ssyncset.done $0x0;
	(pc) =	sbr.rel @p0 .LBB2_4-.Ltmp1, $4  }
0x5e: {  	s24 =	sadd.s32 $0x1480, s25;
	[sflag:s22] =	ssyncadd.s32 $0xFFFFC000  }
0x5f: {  	[spmem:s3] =	stream.indirect.scatter.add.f32 [tilespmem:s20], [sflag:$0x3], $0x80, s24, s19, $0xb8;
	[tilespmem:$0x1E800] =	vst v63  }
0x60: {  	_ =	swait.ge [sflag:s17], $0x4000  }
0x61: {  	s24 =	smov.u32 s26;
	[sflag:s17] =	ssyncset.done $0x0  }
0x62: {  	s23 =	sshra.s32 s23, $0x2;
	[sflag:s17] =	ssyncadd.s32 $0xFFFFC000  }
0x63: {  	[tilespmem:s16], [sflag:$0x1] =	stream.indirect.gather [hbm4b:s0+s19], $0x80, s23, s19, $0xb8;
	[tilespmem:$0x1E800] =	vst v63  }
0x64: {  	s24 =	sadd.s32 $0x80, s23  }
0x65: {  	[tilespmem:s20], [sflag:$0x2] =	stream.indirect.gather [hbm4b:s0+s19], $0x80, s24, s19, $0xb8;
	[tilespmem:$0x1E800] =	vst v63  }
0x66: {  	_ =	swait.ge [sflag:s21], $0x4000  }
0x67: {  	[sflag:s21] =	ssyncset.done $0x0  }
0x68: {  	s25 =	sadd.s32 $0x1400, s23;
	[sflag:s21] =	ssyncadd.s32 $0xFFFFC000  }
0x69: {  	[spmem:s3] =	stream.indirect.scatter.add.f32 [tilespmem:s16], [sflag:$0x3], $0x80, s25, s19, $0xb8;
	[tilespmem:$0x1E800] =	vst v63  }
0x6a: {  	_ =	swait.ge [sflag:s17], $0x4000  }
0x6b: {  	[sflag:s17] =	ssyncset.done $0x0  }
0x6c: {  	[sflag:s17] =	ssyncadd.s32 $0xFFFFC000  }
0x6d: {  	_ =	swait.ge [sflag:s22], $0x4000  }
0x6e: {  	[sflag:s22] =	ssyncset.done $0x0  }
0x6f: {  	s23 =	sadd.s32 $0x1480, s23;
	[sflag:s22] =	ssyncadd.s32 $0xFFFFC000  }
0x70: {  	[spmem:s3] =	stream.indirect.scatter.add.f32 [tilespmem:s20], [sflag:$0x3], $0x80, s23, s19, $0xb8;
	[tilespmem:$0x1E800] =	vst v63  }
0x71: {  	_ =	swait.ge [sflag:s17], $0x4000  }
0x72: {  	[sflag:s17] =	ssyncset.done $0x0  }
0x73: {  	s26 =	simm.s32 $0x0;
	[sflag:s17] =	ssyncadd.s32 $0xFFFFC000  }
0x74: {  	[tilespmem:s26], [sflag:$0x3] =	stream.linear.gather [hbm4b:s12+s26], $0x1400, $0x38;
	[tilespmem:$0x1E800] =	vst v63  }
0x75: {  	_ =	swait.ge [sflag:s17], $0x1400  }
0x76: {  	[sflag:s17] =	ssyncset.done $0x0  }
0x77: {  	[sflag:s17] =	ssyncadd.s32 $0xFFFFEC00  }
0x78: {  	[tilespmem:s18], [sflag:$0x3] =	stream.linear.gather [hbm4b:s13+s26], $0x1400, $0x38;
	[tilespmem:$0x1E800] =	vst v63  }
0x79: {  	_ =	swait.ge [sflag:s17], $0x1400  }
0x7a: {  	[sflag:s17] =	ssyncset.done $0x0  }
0x7b: {  	s28 =	simm.s32 $0x0;
	[sflag:s17] =	ssyncadd.s32 $0xFFFFEC00  }
0x7c: {  	[tilespmem:s16], [sflag:$0x1] =	stream.indirect.gather [hbm4b:s0+s19], $0x80, s28, s19, $0xb8;
	[tilespmem:$0x1E800] =	vst v63  }
0x7d: {  	s29 =	simm.s32 $0x80  }
0x7e: {  	[tilespmem:s20], [sflag:$0x2] =	stream.indirect.gather [hbm4b:s0+s19], $0x80, s29, s19, $0xb8;
	[tilespmem:$0x1E800] =	vst v63  }
0x7f: {  	_ =	swait.ge [sflag:s21], $0x4000  }
0x80: {  	[sflag:s21] =	ssyncset.done $0x0  }
0x81: {  	s30 =	simm.s32 $0x1400;
	[sflag:s21] =	ssyncadd.s32 $0xFFFFC000  }
0x82: {  	[spmem:s3] =	stream.indirect.scatter.add.f32 [tilespmem:s16], [sflag:$0x3], $0x80, s30, s19, $0xb8;
	[tilespmem:$0x1E800] =	vst v63  }
0x83: {  	_ =	swait.ge [sflag:s17], $0x4000  }
0x84: {  	[sflag:s17] =	ssyncset.done $0x0  }
0x85: {  	[sflag:s17] =	ssyncadd.s32 $0xFFFFC000  }
0x86: {  	_ =	swait.ge [sflag:s22], $0x4000  }
0x87: {  	[sflag:s22] =	ssyncset.done $0x0  }
0x88: {  	s31 =	simm.s32 $0x1480;
	[sflag:s22] =	ssyncadd.s32 $0xFFFFC000  }
0x89: {  	[spmem:s3] =	stream.indirect.scatter.add.f32 [tilespmem:s20], [sflag:$0x3], $0x80, s31, s19, $0xb8;
	[tilespmem:$0x1E800] =	vst v63  }
0x8a: {  	_ =	swait.ge [sflag:s17], $0x4000  }
0x8b: {  	s24 =	simm.s32 $0x800;
	s23 =	simm.s32 $0x400;
	[sflag:s17] =	ssyncset.done $0x0  }
.LBB2_6:
0x8c: {  	s25 =	sshra.s32 s23, $0x2  }
0x8d: {  	[sflag:s17] =	ssyncadd.s32 $0xFFFFC000;
	s23 =	smov.u32 s24;
	s26 =	sadd.s32 $0x400, s24  }
0x8e: {  	[tilespmem:s16], [sflag:$0x1] =	stream.indirect.gather [hbm4b:s0+s19], $0x80, s25, s19, $0xb8;
	[tilespmem:$0x1E800] =	vst v63  }
0x8f: {  	p0 =	sne.s32 s24, $0x4C00;
	s24 =	sadd.s32 $0x80, s25  }
0x90: {  	[tilespmem:s20], [sflag:$0x2] =	stream.indirect.gather [hbm4b:s0+s19], $0x80, s24, s19, $0xb8;
	[tilespmem:$0x1E800] =	vst v63  }
0x91: {  	_ =	swait.ge [sflag:s21], $0x4000  }
0x92: {  	[sflag:s21] =	ssyncset.done $0x0  }
0x93: {  	s24 =	sadd.s32 $0x1400, s25;
	[sflag:s21] =	ssyncadd.s32 $0xFFFFC000  }
0x94: {  	[spmem:s3] =	stream.indirect.scatter.add.f32 [tilespmem:s16], [sflag:$0x3], $0x80, s24, s19, $0xb8;
	[tilespmem:$0x1E800] =	vst v63  }
0x95: {  	_ =	swait.ge [sflag:s17], $0x4000  }
0x96: {  	[sflag:s17] =	ssyncset.done $0x0  }
0x97: {  	[sflag:s17] =	ssyncadd.s32 $0xFFFFC000  }
0x98: {  	_ =	swait.ge [sflag:s22], $0x4000  }
.Ltmp2:
0x99: {  	[sflag:s22] =	ssyncset.done $0x0;
	(pc) =	sbr.rel @p0 .LBB2_6-.Ltmp2, $4  }
0x9a: {  	s24 =	sadd.s32 $0x1480, s25;
	[sflag:s22] =	ssyncadd.s32 $0xFFFFC000  }
0x9b: {  	[spmem:s3] =	stream.indirect.scatter.add.f32 [tilespmem:s20], [sflag:$0x3], $0x80, s24, s19, $0xb8;
	[tilespmem:$0x1E800] =	vst v63  }
0x9c: {  	_ =	swait.ge [sflag:s17], $0x4000  }
0x9d: {  	s24 =	smov.u32 s26;
	[sflag:s17] =	ssyncset.done $0x0  }
0x9e: {  	s23 =	sshra.s32 s23, $0x2;
	[sflag:s17] =	ssyncadd.s32 $0xFFFFC000  }
0x9f: {  	[tilespmem:s16], [sflag:$0x1] =	stream.indirect.gather [hbm4b:s0+s19], $0x80, s23, s19, $0xb8;
	[tilespmem:$0x1E800] =	vst v63  }
0xa0: {  	s24 =	sadd.s32 $0x80, s23  }
0xa1: {  	[tilespmem:s20], [sflag:$0x2] =	stream.indirect.gather [hbm4b:s0+s19], $0x80, s24, s19, $0xb8;
	[tilespmem:$0x1E800] =	vst v63  }
0xa2: {  	_ =	swait.ge [sflag:s21], $0x4000  }
0xa3: {  	[sflag:s21] =	ssyncset.done $0x0  }
0xa4: {  	s29 =	sadd.s32 $0x1400, s23;
	[sflag:s21] =	ssyncadd.s32 $0xFFFFC000  }
0xa5: {  	[spmem:s3] =	stream.indirect.scatter.add.f32 [tilespmem:s16], [sflag:$0x3], $0x80, s29, s19, $0xb8;
	[tilespmem:$0x1E800] =	vst v63  }
0xa6: {  	_ =	swait.ge [sflag:s17], $0x4000  }
0xa7: {  	[sflag:s17] =	ssyncset.done $0x0  }
0xa8: {  	[sflag:s17] =	ssyncadd.s32 $0xFFFFC000  }
0xa9: {  	_ =	swait.ge [sflag:s22], $0x4000  }
0xaa: {  	[sflag:s22] =	ssyncset.done $0x0  }
0xab: {  	s23 =	sadd.s32 $0x1480, s23;
	[sflag:s22] =	ssyncadd.s32 $0xFFFFC000  }
0xac: {  	[spmem:s3] =	stream.indirect.scatter.add.f32 [tilespmem:s20], [sflag:$0x3], $0x80, s23, s19, $0xb8;
	[tilespmem:$0x1E800] =	vst v63  }
0xad: {  	_ =	swait.ge [sflag:s17], $0x4000  }
0xae: {  	s30 =	sshll.u32 s2, $0x6;
	s4 =	sadd.s32 $0x1, s4;
	[sflag:s17] =	ssyncset.done $0x0  }
0xaf: {  	s31 =	sshrl.u32 s5, $0x3;
	p0 =	sne.s32 s4, s15;
	[sflag:s17] =	ssyncadd.s32 $0xFFFFC000  }
.Ltmp3:
0xb0: {  	s23 =	sor.u32 $0x1C03, s30;
	[bflag:$0x0] =	sbarrier.arrive $0xFFFF;
	(pc) =	sbr.rel @p0 .LBB2_1-.Ltmp3, $4  }
0xb1: {  	[hbm:s14], [sflag:s23] =	dma.local [spmem:s31], $0x2800  }
0xb2: {  	_ =	swait.ge [sflag:s17], $0x2800  }
0xb3: {  	[sflag:s17] =	ssyncset.done $0x0  }
0xb4: {  	[sflag:s17] =	ssyncadd.s32 $0xFFFFD800  }
0xb5: {  	_ =	sfence.sel $0x180000  }
0xb6: {  	[bflag:$0x0] =	sbarrier.arrive $0xFFFF  }
0xb7: {  	p0 =	sne.s32 s2, $0x0;
	_ =	strace $0x90000047  }
0xb8: {  	s0 =	sadd.s32 @!p0 $0x100000, s1;
	[bflag:$0x2] =	sbarrier.arrive $0xFFFF  }
0xb9: {  	[sflag:s0] =	ssyncadd.tile.s32 @!p0 $0x1;
	_ =	shalt  }
.Lfunc_end2:
_tile_overlayer_lowered:
.L_overlay_start_2:
0xba: {  	(tag) =	ssettag $0x2  }
0xbb: {  	s0 =	rddreg [dreg:$0x0];
	s2 =	stileid.u32  }
0xbc: {  	s1 =	rddreg [dreg:$0x1];
	p0 =	sne.s32 s2, $0x0  }
0xbd: {  	s3 =	rddreg [dreg:$0x2];
	[bflag:$0x3] =	sbarrier.arrive $0xFFFF;
	s2 =	simm.s32 @!p0 $0x1C03  }
0xbe: {  	[timem:s3], [sflag:s2] =	dma.local @!p0 [hbm:s0], s1  }
0xbf: {  	s0 =	simm.s32 @!p0 $0x3  }
0xc0: {  	_ =	swait.ge @!p0 [sflag:s0], s1  }
0xc1: {  	s1 =	ssub.s32 @!p0 $0x0, s1;
	[sflag:s0] =	ssyncset.done @!p0 $0x0  }
0xc2: {  	[sflag:s0] =	ssyncadd.s32 @!p0 s1  }
0xc3: {  	[bflag:$0x3] =	sbarrier.arrive $0xFFFF  }
0xc4: {  	_ =	shalt  }

</sc_bundles>
